<compile_context>
chip_gen: v7x
topology: tpu7x:2x2x1
jax: 0.10.2.dev20260603
libtpu: 0.0.44.dev20260713+nightly
codegen_flags: <defaults>
</compile_context>

<pallas_src>
import functools

import jax
import jax.numpy as jnp
from jax import lax
from jax.experimental import pallas as pl
from jax.experimental.pallas import tpu as pltpu
from jax.experimental.pallas import tpu_sc as plsc

N = 160000
B = 64
E_PER = N // B
D = 128
K = 64
NN = 10000

NW = 32
PER_W = N // NW
GROWS = 40
NT = 16
PER_T = 10112
N_SM = NT * PER_T
TSTEPS = PER_T // 16
TROWS = PER_T // 128
NB = 10240
BSL = NB // NT

_f32 = jnp.float32
_i32 = jnp.int32


def _gather_body(idxp, mem, gl, gr, idx, rows_a, rows_b, table, sem_a, sem_b):
    wid = lax.axis_index("s") * 2 + lax.axis_index("c")
    base = wid * PER_W
    pltpu.sync_copy(idxp.at[wid], idx)

    @pl.when(lax.axis_index("s") == 0)
    def _stage():
        pltpu.sync_copy(mem, table)

    plsc.subcore_barrier()

    def issue(c, rows, sem):
        pltpu.async_copy(table.at[idx.at[c]], rows, sem)

    def wait(rows, sem):
        pltpu.make_async_copy(mem.at[pl.ds(0, 128)], rows, sem).wait()

    def write(c, rows):
        @pl.when(c < GROWS - 1)
        def _():
            pltpu.sync_copy(rows, gl.at[pl.ds(base + c * 128, 128)])

        @pl.when(c == GROWS - 1)
        def _():
            pltpu.sync_copy(rows.at[pl.ds(0, 8)],
                            gl.at[pl.ds(base + (GROWS - 1) * 128, 8)])

        @pl.when(jnp.logical_and(c >= GROWS, c < 2 * GROWS - 1))
        def _():
            pltpu.sync_copy(rows, gr.at[pl.ds(base + (c - GROWS) * 128, 128)])

        @pl.when(c == 2 * GROWS - 1)
        def _():
            pltpu.sync_copy(rows.at[pl.ds(0, 8)],
                            gr.at[pl.ds(base + (GROWS - 1) * 128, 8)])

    issue(0, rows_a, sem_a)

    def body(c, _):
        @pl.when(c % 2 == 0)
        def _():
            @pl.when(c + 1 < 2 * GROWS)
            def _():
                issue(c + 1, rows_b, sem_b)
            wait(rows_a, sem_a)
            write(c, rows_a)

        @pl.when(c % 2 == 1)
        def _():
            @pl.when(c + 1 < 2 * GROWS)
            def _():
                issue(c + 1, rows_a, sem_a)
            wait(rows_b, sem_b)
            write(c, rows_b)
        return 0

    lax.fori_loop(0, 2 * GROWS, body, 0)


def _sc_gather(idxp, mem):
    mesh = plsc.VectorSubcoreMesh(core_axis_name="c", subcore_axis_name="s")
    kfn = functools.partial(
        pl.kernel,
        out_type=[jax.ShapeDtypeStruct((N, D), _f32),
                  jax.ShapeDtypeStruct((N, D), _f32)],
        mesh=mesh,
        compiler_params=pltpu.CompilerParams(needs_layout_passes=False),
        scratch_types=[pltpu.VMEM((2 * GROWS, 128), _i32),
                       pltpu.VMEM((128, D), _f32),
                       pltpu.VMEM((128, D), _f32),
                       pltpu.VMEM_SHARED((NN, D), _f32),
                       pltpu.SemaphoreType.DMA,
                       pltpu.SemaphoreType.DMA],
    )(_gather_body)
    return kfn(idxp, mem)


def _dense_body(gl_ref, gr_ref, rel_ref, qs_ref, qr_ref, lw_ref, rw_ref,
                cw_ref, lb_ref, rb_ref, cb_ref, out_ref):
    g = gl_ref[0]
    h = gr_ref[0]
    r = rel_ref[0]
    qs = qs_ref[0]
    qr = qr_ref[0]

    dn = (((1,), (1,)), ((), ()))

    def dot(a, b):
        return lax.dot_general(a, b, dn, preferred_element_type=_f32)

    qcat = jnp.concatenate([qs, qr], axis=1)
    ql = dot(qcat, lw_ref[:, 256:512]) + lb_ref[...]
    qright = dot(qcat, rw_ref[:, 256:512]) + rb_ref[...]

    x = jnp.concatenate([g, r], axis=1)
    y = jnp.concatenate([h, r], axis=1)
    lp = dot(x, lw_ref[:, 0:256]) + ql
    rp = dot(y, rw_ref[:, 0:256]) + qright
    left = jnp.where(lp > 0, lp, 0.01 * lp)
    right = jnp.where(rp > 0, rp, 0.01 * rp)
    center = dot(right, cw_ref[...]) + cb_ref[...]
    out_ref[0, 0, :] = jnp.sum(left * center, axis=1)


def _dense_logits(gl, gr, rel, qse, qre, lw, rw, cw, lb, rb, cb):
    full = lambda shape: pl.BlockSpec(shape, lambda q: (0,) * len(shape))
    per_q3 = pl.BlockSpec((1, E_PER, D), lambda q: (q, 0, 0))
    per_q1 = pl.BlockSpec((1, 1, D), lambda q: (q, 0, 0))
    out = pl.pallas_call(
        _dense_body,
        grid=(B,),
        in_specs=[per_q3, per_q3, per_q3, per_q1, per_q1,
                  full((2 * D, 4 * D)), full((2 * D, 4 * D)),
                  full((2 * D, 2 * D)),
                  full((1, 2 * D)), full((1, 2 * D)), full((1, 2 * D))],
        out_specs=pl.BlockSpec((1, 1, E_PER), lambda q: (q, 0, 0)),
        out_shape=jax.ShapeDtypeStruct((B, 1, E_PER), _f32),
    )(gl, gr, rel, qse, qre, lw, rw, cw, lb.reshape(1, -1),
      rb.reshape(1, -1), cb.reshape(1, -1))
    return out.reshape(N)


def _softmax_body(lg_hbm, segf_hbm, seg3_hbm, ns_hbm, out_hbm,
                  bins, sns, nsv, segf, seg2, lgx, tmp, acc, stage, ksh, ssh):
    tid = lax.axis_index("s")
    cid = lax.axis_index("c")
    on0 = cid == 0
    base = tid * PER_T

    z16f = jnp.zeros((16,), _f32)
    neg16 = jnp.full((16,), -1e30, _f32)
    z16i = jnp.zeros((16,), _i32)

    @pl.when(on0)
    def _phase1():
        pltpu.sync_copy(lg_hbm.at[pl.ds(base, PER_T)], lgx)
        pltpu.sync_copy(segf_hbm.at[pl.ds(base, PER_T)], segf)
        pltpu.sync_copy(seg3_hbm.at[tid], seg2)

        def initb(i, _):
            bins[pl.ds(i * 16, 16)] = neg16
            return 0
        lax.fori_loop(0, NB // 16, initb, 0)

        def spass(_c):
            def sbody(j, viol):
                sl = pl.ds(j * 16, 16)
                idx = segf[sl]
                v = lgx[sl]
                cur = plsc.load_gather(bins, [idx])
                upd = v > cur
                plsc.store_scatter(bins, [idx], jnp.maximum(cur, v), mask=upd)
                return viol + jnp.where(upd, 1, 0)
            vv = lax.fori_loop(0, TSTEPS, sbody, z16i)
            return jnp.sum(vv)

        c0 = spass(0)
        lax.while_loop(lambda c: c > 0, spass, c0)

        def stg(i, _):
            pltpu.sync_copy(bins.at[pl.ds(i * BSL, BSL)], stage.at[tid, i])
            return 0
        lax.fori_loop(0, NT, stg, 0)

    plsc.subcore_barrier()

    @pl.when(on0)
    def _phase2():
        pltpu.sync_copy(stage.at[0, tid], acc)

        def cbody(i, _):
            pltpu.sync_copy(stage.at[i, tid], tmp)

            def mx(j, _2):
                sl = pl.ds(j * 16, 16)
                acc[sl] = jnp.maximum(acc[sl], tmp[sl])
                return 0
            lax.fori_loop(0, BSL // 16, mx, 0)
            return 0
        lax.fori_loop(1, NT, cbody, 0)
        pltpu.sync_copy(acc, ksh.at[tid])

        @pl.when(tid == 0)
        def _zero():
            def zb(i, _):
                sns[pl.ds(i * 16, 16)] = z16f
                return 0
            lax.fori_loop(0, NB // 16, zb, 0)
            pltpu.sync_copy(sns, ssh)

    plsc.subcore_barrier()

    @pl.when(on0)
    def _phase3():
        def ld(i, _):
            pltpu.sync_copy(ksh.at[i], bins.at[pl.ds(i * BSL, BSL)])
            return 0
        lax.fori_loop(0, NT, ld, 0)

        def ebody(j, _):
            sl = pl.ds(j * 16, 16)
            kk = plsc.load_gather(bins, [segf[sl]])
            lgx[sl] = jnp.exp(lgx[sl] - kk)
            return 0
        lax.fori_loop(0, TSTEPS, ebody, 0)

        def abody(c, _):
            pltpu.sync_copy(lgx.at[pl.ds(c * 128, 128)],
                            ssh.at[seg2.at[c]], add=True)
            return 0
        lax.fori_loop(0, TROWS, abody, 0)

    plsc.subcore_barrier()

    @pl.when(on0)
    def _phase4():
        pltpu.sync_copy(ssh, sns)
        pltpu.sync_copy(ns_hbm, nsv.at[pl.ds(0, NN)])

        def tbody(j, _):
            sl = pl.ds(j * 16, 16)
            idx = segf[sl]
            s = plsc.load_gather(sns, [idx])
            ns = plsc.load_gather(nsv, [idx])
            lgx[sl] = lgx[sl] * ns / s
            return 0
        lax.fori_loop(0, TSTEPS, tbody, 0)
        pltpu.sync_copy(lgx, out_hbm.at[pl.ds(base, PER_T)])


def _sc_softmax(lg_pad, segf_pad, seg3_pad, node_score):
    mesh = plsc.VectorSubcoreMesh(core_axis_name="c", subcore_axis_name="s")
    kfn = functools.partial(
        pl.kernel,
        out_type=jax.ShapeDtypeStruct((N_SM,), _f32),
        mesh=mesh,
        compiler_params=pltpu.CompilerParams(needs_layout_passes=False),
        scratch_types=[pltpu.VMEM((NB,), _f32),
                       pltpu.VMEM((NB,), _f32),
                       pltpu.VMEM((NB,), _f32),
                       pltpu.VMEM((PER_T,), _i32),
                       pltpu.VMEM((TROWS, 128), _i32),
                       pltpu.VMEM((PER_T,), _f32),
                       pltpu.VMEM((BSL,), _f32),
                       pltpu.VMEM((BSL,), _f32),
                       pltpu.VMEM_SHARED((NT, NT, BSL), _f32),
                       pltpu.VMEM_SHARED((NT, BSL), _f32),
                       pltpu.VMEM_SHARED((NB,), _f32)],
    )(_softmax_body)
    return kfn(lg_pad, segf_pad, seg3_pad, node_score)


def _topk_body(me_ref, ta_ref, vals_ref, idx_ref, work_ref):
    work_ref[...] = ta_ref[...]
    col = lax.broadcasted_iota(_i32, (B, E_PER), 1)
    kcol = lax.broadcasted_iota(_i32, (B, K), 1)
    krow = lax.broadcasted_iota(_i32, (B, K), 0)

    def step(i, carry):
        vals, idxs = carry
        w = work_ref[...]
        m = jnp.max(w, axis=1)
        eq = w == m[:, None]
        amx = jnp.min(jnp.where(eq, col, E_PER), axis=1)
        vals = jnp.where(kcol == i, m[:, None], vals)
        idxs = jnp.where(kcol == i, amx[:, None], idxs)
        work_ref[...] = jnp.where(col == amx[:, None], jnp.float32(-1.0), w)
        return vals, idxs

    vals0 = jnp.zeros((B, K), _f32)
    idxs0 = jnp.zeros((B, K), _i32)
    vals, idxs = lax.fori_loop(0, K, step, (vals0, idxs0))
    me = me_ref[0]
    vals_ref[...] = jnp.where(kcol < me, vals, jnp.float32(0.0))
    idx_ref[...] = idxs + krow * E_PER


def _topk(ta, max_edges):
    me = jnp.asarray(max_edges, _i32).reshape(1)
    return pl.pallas_call(
        _topk_body,
        in_specs=[pl.BlockSpec(memory_space=pltpu.SMEM),
                  pl.BlockSpec((B, E_PER), lambda: (0, 0))],
        out_specs=[pl.BlockSpec((B, K), lambda: (0, 0)),
                   pl.BlockSpec((B, K), lambda: (0, 0))],
        out_shape=[jax.ShapeDtypeStruct((B, K), _f32),
                   jax.ShapeDtypeStruct((B, K), _i32)],
        scratch_shapes=[pltpu.VMEM((B, E_PER), _f32)],
    )(me, ta)


def _scatter_body(oidx_hbm, pr_hbm, dst_hbm, out_hbm,
                  oix, prv, dvals, zb, ssh, sem):
    wid = lax.axis_index("s") * 2 + lax.axis_index("c")

    @pl.when(wid == 0)
    def _run():
        pltpu.sync_copy(oidx_hbm, oix)
        pltpu.sync_copy(pr_hbm, prv)

        z16f = jnp.zeros((16,), _f32)

        def zbody(i, _):
            zb[pl.ds(i * 16, 16)] = z16f
            return 0
        lax.fori_loop(0, NB // 16, zbody, 0)
        pltpu.sync_copy(zb, ssh)

        def body(c, _):
            pltpu.async_copy(dst_hbm.at[oix.at[c]], dvals, sem).wait()
            pltpu.sync_copy(prv.at[c], ssh.at[dvals], add=True)
            return 0
        lax.fori_loop(0, (B * K) // 128, body, 0)
        pltpu.sync_copy(ssh, zb)
        pltpu.sync_copy(zb.at[pl.ds(0, NN)], out_hbm)


def _sc_scatter(oidx2d, pruned2d, dst):
    mesh = plsc.VectorSubcoreMesh(core_axis_name="c", subcore_axis_name="s")
    kfn = functools.partial(
        pl.kernel,
        out_type=jax.ShapeDtypeStruct((NN,), _f32),
        mesh=mesh,
        compiler_params=pltpu.CompilerParams(needs_layout_passes=False),
        scratch_types=[pltpu.VMEM(((B * K) // 128, 128), _i32),
                       pltpu.VMEM(((B * K) // 128, 128), _f32),
                       pltpu.VMEM((128,), _i32),
                       pltpu.VMEM((NB,), _f32),
                       pltpu.VMEM_SHARED((NB,), _f32),
                       pltpu.SemaphoreType.DMA],
    )(_scatter_body)
    return kfn(oidx2d, pruned2d, dst)


def kernel(edges, node_score, memorized_embedding, rel_emb, query_src_ts_emb,
           query_rel_emb, left_W, left_b, right_W, right_b, center_W, center_b,
           max_edges):
    seg = edges[:, 6]
    dst = edges[:, 7]

    segp = jnp.pad(seg.reshape(NW, PER_W), ((0, 0), (0, GROWS * 128 - PER_W))
                   ).reshape(NW, GROWS, 128)
    dstp = jnp.pad(dst.reshape(NW, PER_W), ((0, 0), (0, GROWS * 128 - PER_W))
                   ).reshape(NW, GROWS, 128)
    idxp = jnp.concatenate([segp, dstp], axis=1)
    gl, gr = _sc_gather(idxp, memorized_embedding)

    logits = _dense_logits(
        gl.reshape(B, E_PER, D), gr.reshape(B, E_PER, D),
        rel_emb.reshape(B, E_PER, D),
        query_src_ts_emb.reshape(B, 1, D), query_rel_emb.reshape(B, 1, D),
        left_W, right_W, center_W, left_b, right_b, center_b)

    lg_pad = jnp.concatenate([logits, jnp.full((N_SM - N,), -1e30, _f32)])
    seg_pad = jnp.concatenate([seg, jnp.full((N_SM - N,), NB - 1, _i32)])
    target = _sc_softmax(lg_pad, seg_pad, seg_pad.reshape(NT, TROWS, 128),
                         node_score)

    pruned, oidx = _topk(target[:N].reshape(B, E_PER), max_edges)
    pruned_att_flat = pruned.reshape(-1)
    orig_indices = oidx.reshape(-1)

    updated = _sc_scatter(oidx.reshape((B * K) // 128, 128),
                          pruned.reshape((B * K) // 128, 128), dst)
    return (updated, pruned_att_flat, orig_indices)

# --- scband reference (transcript-rebuilt; emitter-appended) ---
"""Pipeline reference for scband-attention-flow-78228534329586 (READ-ONLY COPY).

The authoritative reference and input builder live on the scoring server;
editing this copy changes nothing except your own understanding.
"""

import jax, jax.numpy as jnp
import numpy as np

N = 160000
B = 64
E_PER = N // B
NUM_NODES = 10000
D = 128


def setup_inputs(seed: int = 0):
    key = jax.random.key(seed)
    ks = jax.random.split(key, 12)
    eg = jnp.repeat(jnp.arange(B, dtype=jnp.int32), E_PER)
    vi = jax.random.randint(ks[0], (N,), 0, NUM_NODES, dtype=jnp.int32)
    ti = jax.random.randint(ks[1], (N,), 0, 1000, dtype=jnp.int32)
    vj = jax.random.randint(ks[2], (N,), 0, NUM_NODES, dtype=jnp.int32)
    tj = jax.random.randint(ks[3], (N,), 0, 1000, dtype=jnp.int32)
    rel = jax.random.randint(ks[4], (N,), 0, 200, dtype=jnp.int32)
    ni = jax.random.randint(ks[5], (N,), 0, NUM_NODES, dtype=jnp.int32)
    nj = jax.random.randint(ks[6], (N,), 0, NUM_NODES, dtype=jnp.int32)
    edges = jnp.stack([eg, vi, ti, vj, tj, rel, ni, nj], axis=1)
    node_score = jax.random.uniform(ks[7], (NUM_NODES,), dtype=jnp.float32)
    memorized_embedding = jax.random.normal(ks[8], (NUM_NODES, D), dtype=jnp.float32)
    rel_emb = jax.random.normal(ks[9], (N, D), dtype=jnp.float32)
    query_src_ts_emb = jax.random.normal(ks[10], (B, D), dtype=jnp.float32)
    query_rel_emb = jax.random.normal(ks[11], (B, D), dtype=jnp.float32)
    kw = jax.random.split(jax.random.key(1), 3)
    left_W = jax.random.normal(kw[0], (2 * D, 4 * D), dtype=jnp.float32) * np.sqrt(2.0 / (4 * D))
    right_W = jax.random.normal(kw[1], (2 * D, 4 * D), dtype=jnp.float32) * np.sqrt(2.0 / (4 * D))
    center_W = jax.random.normal(kw[2], (2 * D, 2 * D), dtype=jnp.float32) * np.sqrt(2.0 / (4 * D))
    left_b = jnp.zeros((2 * D,), jnp.float32)
    right_b = jnp.zeros((2 * D,), jnp.float32)
    center_b = jnp.zeros((2 * D,), jnp.float32)
    return {
        'edges': edges,
        'node_score': node_score,
        'memorized_embedding': memorized_embedding,
        'rel_emb': rel_emb,
        'query_src_ts_emb': query_src_ts_emb,
        'query_rel_emb': query_rel_emb,
        'left_W': left_W,
        'left_b': left_b,
        'right_W': right_W,
        'right_b': right_b,
        'center_W': center_W,
        'center_b': center_b,
        'max_edges': 64,
    }


def reference(edges, node_score, memorized_embedding, rel_emb, query_src_ts_emb,
              query_rel_emb, left_W, left_b, right_W, right_b, center_W, center_b,
              max_edges):
    num_nodes = memorized_embedding.shape[0]
    n = edges.shape[0]
    b = query_src_ts_emb.shape[0]
    e_per = n // b
    qidx = edges[:, 0]
    seg = edges[:, 6]   # idx_eg_vi_ti (src node idx in memorized embedding)
    dst = edges[:, 7]   # idx_eg_vj_tj (dst node idx)

    # G bilinear transition function
    hvi = jnp.take(memorized_embedding, seg, axis=0)
    hvj = jnp.take(memorized_embedding, dst, axis=0)
    qs = jnp.take(query_src_ts_emb, qidx, axis=0)
    qr = jnp.take(query_rel_emb, qidx, axis=0)
    left_x = jnp.concatenate([hvi, rel_emb, qs, qr], axis=-1)
    right_x = jnp.concatenate([hvj, rel_emb, qs, qr], axis=-1)
    left = jax.nn.leaky_relu(left_x @ left_W.T + left_b, negative_slope=0.01)
    right = jax.nn.leaky_relu(right_x @ right_W.T + right_b, negative_slope=0.01)
    center = right @ center_W.T + center_b
    transition_logits = jnp.sum(left * center, axis=-1)

    # segment softmax over source-node index (segment_softmax_op_v2)
    m = jax.ops.segment_max(transition_logits, seg, num_segments=num_nodes)
    ex = jnp.exp(transition_logits - jnp.take(m, seg, axis=0))
    s = jax.ops.segment_sum(ex, seg, num_segments=num_nodes)
    soft = ex / jnp.take(s, seg, axis=0)

    src_att = jnp.take(node_score, seg, axis=0)
    target_att = soft * src_att

    # per-query (eg_idx) top-k pruning; eg_idx is block-structured with e_per edges per query
    ta = target_att.reshape(b, e_per)
    k_static = 64
    pruned_att, idx = jax.lax.top_k(ta, k_static)
    valid = jnp.arange(k_static) < max_edges
    pruned_att = jnp.where(valid[None, :], pruned_att, jnp.float32(0.0))
    orig_indices = (idx + jnp.arange(b, dtype=idx.dtype)[:, None] * e_per).reshape(-1)
    pruned_att_flat = pruned_att.reshape(-1)

    # node score aggregation == 'sum': scatter-add pruned attention onto dst nodes
    pruned_dst = jnp.take(dst, orig_indices, axis=0)
    updated_node_score = jnp.zeros((num_nodes,), dtype=pruned_att_flat.dtype).at[pruned_dst].add(pruned_att_flat)

    return (updated_node_score, pruned_att_flat, orig_indices)


if False:  # reference __main__ guard neutralized (emitter)
    out = reference(**setup_inputs())
    print([o.shape for o in out])

if __name__ == "__main__":
    import jax
    _d = setup_inputs()
    print(jax.jit(kernel)(*tuple(_d.values())))

</pallas_src>

<mosaic_0001>
#map = affine_map<(d0, d1) -> (0)>
#map1 = affine_map<(d0, d1) -> (0, 0, 0)>
module attributes {stable_mosaic.version = 14 : i64} {
  func.func @_softmax_body(%arg0: i32, %arg1: i32, %arg2: memref<161792xf32, #tpu.memory_space<hbm>>, %arg3: memref<161792xi32, #tpu.memory_space<hbm>>, %arg4: memref<16x79x128xi32, #tpu.memory_space<hbm>>, %arg5: memref<10000xf32, #tpu.memory_space<hbm>>, %arg6: memref<161792xf32, #tpu.memory_space<hbm>>, %arg7: memref<10240xf32, #tpu.memory_space<vmem>>, %arg8: memref<10240xf32, #tpu.memory_space<vmem>>, %arg9: memref<10240xf32, #tpu.memory_space<vmem>>, %arg10: memref<10112xi32, #tpu.memory_space<vmem>>, %arg11: memref<79x128xi32, #tpu.memory_space<vmem>>, %arg12: memref<10112xf32, #tpu.memory_space<vmem>>, %arg13: memref<640xf32, #tpu.memory_space<vmem>>, %arg14: memref<640xf32, #tpu.memory_space<vmem>>, %arg15: memref<16x16x640xf32, #tpu.memory_space<vmem_shared>>, %arg16: memref<16x640xf32, #tpu.memory_space<vmem_shared>>, %arg17: memref<10240xf32, #tpu.memory_space<vmem_shared>>) attributes {dimension_semantics = [#tpu.dimension_semantics<core_parallel>, #tpu.dimension_semantics<subcore_parallel>], iteration_bounds = array<i64: 2, 16>, scalar_prefetch = 0 : i64, scratch_operands = 11 : i64, tpu.core_type = #tpu.core_type<sc_vector_subcore>, window_params = [{transform_indices = #map}, {transform_indices = #map}, {transform_indices = #map1}, {transform_indices = #map}, {transform_indices = #map}]} {
    %eq3A = arith.constant 0 : i32
    %eq3A_0 = arith.cmpi eq, %arg0, %eq3A : i32
    %mul3A = arith.constant 10112 : i32
    %mul3A_1 = arith.muli %arg1, %mul3A : i32
    %broadcast_in_dim3A = arith.constant 0.000000e+00 : f32
    %broadcast_in_dim3A_2 = vector.broadcast %broadcast_in_dim3A : f32 to vector<16xf32>
    %broadcast_in_dim3A_3 = arith.constant -1.000000e+30 : f32
    %broadcast_in_dim3A_4 = vector.broadcast %broadcast_in_dim3A_3 : f32 to vector<16xf32>
    %broadcast_in_dim3A_5 = arith.constant 0 : i32
    %broadcast_in_dim3A_6 = vector.broadcast %broadcast_in_dim3A_5 : i32 to vector<16xi32>
    %convert_element_type3A = arith.extui %eq3A_0 : i1 to i32
    %cond3A = arith.constant 0 : i32
    %cond3A_7 = arith.cmpi ne, %convert_element_type3A, %cond3A : i32
    scf.if %cond3A_7 {
      "tpu.region"() ({
        %run_scoped3A = tpu.sem_alloc : memref<!tpu.dma_semaphore, #tpu.memory_space<semaphore_mem>>
        %dma_start3A = tpu.memref_slice %arg2[%mul3A_1] : memref<161792xf32, #tpu.memory_space<hbm>> -> memref<10112xf32, #tpu.memory_space<hbm>>
        %dma_start3A_41 = tpu.memref_slice %arg2[%mul3A_1] : memref<161792xf32, #tpu.memory_space<hbm>> -> memref<10112xf32, #tpu.memory_space<hbm>>
        tpu.enqueue_dma source(%dma_start3A_41 : memref<10112xf32, #tpu.memory_space<hbm>>) target(%arg12 : memref<10112xf32, #tpu.memory_space<vmem>>) target_semaphore(%run_scoped3A : memref<!tpu.dma_semaphore, #tpu.memory_space<semaphore_mem>>)
        %dma_wait3A = tpu.memref_slice %arg2[%mul3A_1] : memref<161792xf32, #tpu.memory_space<hbm>> -> memref<10112xf32, #tpu.memory_space<hbm>>
        %dma_wait3A_42 = tpu.memref_slice %arg2[%mul3A_1] : memref<161792xf32, #tpu.memory_space<hbm>> -> memref<10112xf32, #tpu.memory_space<hbm>>
        tpu.wait_dma2 semaphore(%run_scoped3A : memref<!tpu.dma_semaphore, #tpu.memory_space<semaphore_mem>>) src(%dma_wait3A_42 : memref<10112xf32, #tpu.memory_space<hbm>>) dst(%arg12 : memref<10112xf32, #tpu.memory_space<vmem>>)
        tpu.yield
      }) : () -> ()
      "tpu.region"() ({
        %run_scoped3A = tpu.sem_alloc : memref<!tpu.dma_semaphore, #tpu.memory_space<semaphore_mem>>
        %dma_start3A = tpu.memref_slice %arg3[%mul3A_1] : memref<161792xi32, #tpu.memory_space<hbm>> -> memref<10112xi32, #tpu.memory_space<hbm>>
        %dma_start3A_41 = tpu.memref_slice %arg3[%mul3A_1] : memref<161792xi32, #tpu.memory_space<hbm>> -> memref<10112xi32, #tpu.memory_space<hbm>>
        tpu.enqueue_dma source(%dma_start3A_41 : memref<10112xi32, #tpu.memory_space<hbm>>) target(%arg10 : memref<10112xi32, #tpu.memory_space<vmem>>) target_semaphore(%run_scoped3A : memref<!tpu.dma_semaphore, #tpu.memory_space<semaphore_mem>>)
        %dma_wait3A = tpu.memref_slice %arg3[%mul3A_1] : memref<161792xi32, #tpu.memory_space<hbm>> -> memref<10112xi32, #tpu.memory_space<hbm>>
        %dma_wait3A_42 = tpu.memref_slice %arg3[%mul3A_1] : memref<161792xi32, #tpu.memory_space<hbm>> -> memref<10112xi32, #tpu.memory_space<hbm>>
        tpu.wait_dma2 semaphore(%run_scoped3A : memref<!tpu.dma_semaphore, #tpu.memory_space<semaphore_mem>>) src(%dma_wait3A_42 : memref<10112xi32, #tpu.memory_space<hbm>>) dst(%arg10 : memref<10112xi32, #tpu.memory_space<vmem>>)
        tpu.yield
      }) : () -> ()
      "tpu.region"() ({
        %run_scoped3A = tpu.sem_alloc : memref<!tpu.dma_semaphore, #tpu.memory_space<semaphore_mem>>
        %dma_start3A = arith.constant 0 : i32
        %dma_start3A_41 = arith.constant 0 : i32
        %dma_start3A_42 = tpu.memref_slice %arg4[%arg1, %dma_start3A, %dma_start3A_41] : memref<16x79x128xi32, #tpu.memory_space<hbm>> -> memref<1x79x128xi32, #tpu.memory_space<hbm>>
        %dma_start3A_43 = tpu.memref_squeeze %dma_start3A_42 : memref<1x79x128xi32, #tpu.memory_space<hbm>> -> memref<79x128xi32, #tpu.memory_space<hbm>>
        %dma_start3A_44 = arith.constant 0 : i32
        %dma_start3A_45 = arith.constant 0 : i32
        %dma_start3A_46 = tpu.memref_slice %arg4[%arg1, %dma_start3A_44, %dma_start3A_45] : memref<16x79x128xi32, #tpu.memory_space<hbm>> -> memref<1x79x128xi32, #tpu.memory_space<hbm>>
        %dma_start3A_47 = tpu.memref_squeeze %dma_start3A_46 : memref<1x79x128xi32, #tpu.memory_space<hbm>> -> memref<79x128xi32, #tpu.memory_space<hbm>>
        tpu.enqueue_dma source(%dma_start3A_47 : memref<79x128xi32, #tpu.memory_space<hbm>>) target(%arg11 : memref<79x128xi32, #tpu.memory_space<vmem>>) target_semaphore(%run_scoped3A : memref<!tpu.dma_semaphore, #tpu.memory_space<semaphore_mem>>)
        %dma_wait3A = arith.constant 0 : i32
        %dma_wait3A_48 = arith.constant 0 : i32
        %dma_wait3A_49 = tpu.memref_slice %arg4[%arg1, %dma_wait3A, %dma_wait3A_48] : memref<16x79x128xi32, #tpu.memory_space<hbm>> -> memref<1x79x128xi32, #tpu.memory_space<hbm>>
        %dma_wait3A_50 = tpu.memref_squeeze %dma_wait3A_49 : memref<1x79x128xi32, #tpu.memory_space<hbm>> -> memref<79x128xi32, #tpu.memory_space<hbm>>
        %dma_wait3A_51 = arith.constant 0 : i32
        %dma_wait3A_52 = arith.constant 0 : i32
        %dma_wait3A_53 = tpu.memref_slice %arg4[%arg1, %dma_wait3A_51, %dma_wait3A_52] : memref<16x79x128xi32, #tpu.memory_space<hbm>> -> memref<1x79x128xi32, #tpu.memory_space<hbm>>
        %dma_wait3A_54 = tpu.memref_squeeze %dma_wait3A_53 : memref<1x79x128xi32, #tpu.memory_space<hbm>> -> memref<79x128xi32, #tpu.memory_space<hbm>>
        tpu.wait_dma2 semaphore(%run_scoped3A : memref<!tpu.dma_semaphore, #tpu.memory_space<semaphore_mem>>) src(%dma_wait3A_54 : memref<79x128xi32, #tpu.memory_space<hbm>>) dst(%arg11 : memref<79x128xi32, #tpu.memory_space<vmem>>)
        tpu.yield
      }) : () -> ()
      %scan3A = arith.constant 0 : i32
      %scan3A_19 = arith.constant 0 : i32
      %scan3A_20 = arith.constant 640 : i32
      %scan3A_21 = arith.addi %scan3A_19, %scan3A_20 : i32
      %scan3A_22 = arith.constant 1 : i32
      %scan3A_23 = scf.for %scan3A_41 = %scan3A_19 to %scan3A_21 step %scan3A_22 iter_args(%scan3A_42 = %scan3A) -> (i32)  : i32 {
        %mul3A_43 = arith.constant 16 : i32
        %mul3A_44 = arith.muli %scan3A_41, %mul3A_43 : i32
        %swap3A = arith.index_cast %mul3A_44 : i32 to index
        %swap3A_45 = tpu.vector_load %arg7[%swap3A] {strides = array<i32>} : memref<10240xf32, #tpu.memory_space<vmem>>, vector<16xf32>,
        tpu.vector_store %arg7[%swap3A], %broadcast_in_dim3A_4 {strides = array<i32>} : memref<10240xf32, #tpu.memory_space<vmem>>, vector<16xf32>,
        %scan3A_46 = arith.constant 0 : i32
        scf.yield %scan3A_46 : i32
      }
      %scan3A_24 = arith.constant 640 : i32
      %scan3A_25 = arith.constant 0 : i32
      %scan3A_26 = arith.constant 632 : i32
      %scan3A_27 = arith.addi %scan3A_25, %scan3A_26 : i32
      %scan3A_28 = arith.constant 1 : i32
      %scan3A_29 = scf.for %scan3A_41 = %scan3A_25 to %scan3A_27 step %scan3A_28 iter_args(%scan3A_42 = %broadcast_in_dim3A_6) -> (vector<16xi32>)  : i32 {
        %mul3A_43 = arith.constant 16 : i32
        %mul3A_44 = arith.muli %scan3A_41, %mul3A_43 : i32
        %get3A = arith.index_cast %mul3A_44 : i32 to index
        %get3A_45 = tpu.vector_load %arg10[%get3A] {strides = array<i32>} : memref<10112xi32, #tpu.memory_space<vmem>>, vector<16xi32>,
        %get3A_46 = arith.index_cast %mul3A_44 : i32 to index
        %get3A_47 = tpu.vector_load %arg12[%get3A_46] {strides = array<i32>} : memref<10112xf32, #tpu.memory_space<vmem>>, vector<16xf32>,
        %gather3A = tpu.vector_load_idx %arg7[%get3A_45] : memref<10240xf32, #tpu.memory_space<vmem>>[vector<16xi32>], vector<16xf32>,
        %gt3A = arith.cmpf ogt, %get3A_47, %gather3A : vector<16xf32>
        %max3A = arith.maximumf %gather3A, %get3A_47 : vector<16xf32>
        tpu.vector_store_idx %arg7[%get3A_45], %max3A masked %gt3A : memref<10240xf32, #tpu.memory_space<vmem>>[vector<16xi32>], vector<16xf32>, vector<16xi1>
        %jit3A = arith.constant 1 : i32
        %jit3A_48 = arith.constant 0 : i32
        %broadcast_in_dim3A_49 = vector.broadcast %jit3A : i32 to vector<16xi32>
        %broadcast_in_dim3A_50 = vector.broadcast %jit3A_48 : i32 to vector<16xi32>
        %select_n3A = arith.select %gt3A, %broadcast_in_dim3A_49, %broadcast_in_dim3A_50 : vector<16xi1>, vector<16xi32>
        %add3A = arith.addi %scan3A_42, %select_n3A : vector<16xi32>
        scf.yield %add3A : vector<16xi32>
      }
      %scan3A_30 = arith.constant 632 : i32
      %reduce_sum3A = arith.constant true
      %reduce_sum3A_31 = vector.broadcast %reduce_sum3A : i1 to vector<16xi1>
      %reduce_sum3A_32 = tpu.scan <sum>, %scan3A_29 masked %reduce_sum3A_31 : vector<16xi32>, vector<16xi1> -> vector<16xi32>
      %reduce_sum3A_33 = vector.extract %reduce_sum3A_32[15] : i32 from vector<16xi32>
      %while3A = scf.while (%while3A_41 = %reduce_sum3A_33) : (i32) -> i32 {
        %gt3A = arith.constant 0 : i32
        %gt3A_42 = arith.cmpi sgt, %while3A_41, %gt3A : i32
        scf.condition(%gt3A_42) %while3A_41 : i32
      } do {
      ^bb0(%while3A_41: i32):
        %scan3A_42 = arith.constant 0 : i32
        %scan3A_43 = arith.constant 632 : i32
        %scan3A_44 = arith.addi %scan3A_42, %scan3A_43 : i32
        %scan3A_45 = arith.constant 1 : i32
        %scan3A_46 = scf.for %scan3A_52 = %scan3A_42 to %scan3A_44 step %scan3A_45 iter_args(%scan3A_53 = %broadcast_in_dim3A_6) -> (vector<16xi32>)  : i32 {
          %mul3A_54 = arith.constant 16 : i32
          %mul3A_55 = arith.muli %scan3A_52, %mul3A_54 : i32
          %get3A = arith.index_cast %mul3A_55 : i32 to index
          %get3A_56 = tpu.vector_load %arg10[%get3A] {strides = array<i32>} : memref<10112xi32, #tpu.memory_space<vmem>>, vector<16xi32>,
          %get3A_57 = arith.index_cast %mul3A_55 : i32 to index
          %get3A_58 = tpu.vector_load %arg12[%get3A_57] {strides = array<i32>} : memref<10112xf32, #tpu.memory_space<vmem>>, vector<16xf32>,
          %gather3A = tpu.vector_load_idx %arg7[%get3A_56] : memref<10240xf32, #tpu.memory_space<vmem>>[vector<16xi32>], vector<16xf32>,
          %gt3A = arith.cmpf ogt, %get3A_58, %gather3A : vector<16xf32>
          %max3A = arith.maximumf %gather3A, %get3A_58 : vector<16xf32>
          tpu.vector_store_idx %arg7[%get3A_56], %max3A masked %gt3A : memref<10240xf32, #tpu.memory_space<vmem>>[vector<16xi32>], vector<16xf32>, vector<16xi1>
          %jit3A = arith.constant 1 : i32
          %jit3A_59 = arith.constant 0 : i32
          %broadcast_in_dim3A_60 = vector.broadcast %jit3A : i32 to vector<16xi32>
          %broadcast_in_dim3A_61 = vector.broadcast %jit3A_59 : i32 to vector<16xi32>
          %select_n3A = arith.select %gt3A, %broadcast_in_dim3A_60, %broadcast_in_dim3A_61 : vector<16xi1>, vector<16xi32>
          %add3A = arith.addi %scan3A_53, %select_n3A : vector<16xi32>
          scf.yield %add3A : vector<16xi32>
        }
        %scan3A_47 = arith.constant 632 : i32
        %reduce_sum3A_48 = arith.constant true
        %reduce_sum3A_49 = vector.broadcast %reduce_sum3A_48 : i1 to vector<16xi1>
        %reduce_sum3A_50 = tpu.scan <sum>, %scan3A_46 masked %reduce_sum3A_49 : vector<16xi32>, vector<16xi1> -> vector<16xi32>
        %reduce_sum3A_51 = vector.extract %reduce_sum3A_50[15] : i32 from vector<16xi32>
        scf.yield %reduce_sum3A_51 : i32
      }
      %scan3A_34 = arith.constant 0 : i32
      %scan3A_35 = arith.constant 0 : i32
      %scan3A_36 = arith.constant 16 : i32
      %scan3A_37 = arith.addi %scan3A_35, %scan3A_36 : i32
      %scan3A_38 = arith.constant 1 : i32
      %scan3A_39 = scf.for %scan3A_41 = %scan3A_35 to %scan3A_37 step %scan3A_38 iter_args(%scan3A_42 = %scan3A_34) -> (i32)  : i32 {
        %mul3A_43 = arith.constant 640 : i32
        %mul3A_44 = arith.muli %scan3A_41, %mul3A_43 : i32
        "tpu.region"() ({
          %run_scoped3A = tpu.sem_alloc : memref<!tpu.dma_semaphore, #tpu.memory_space<semaphore_mem>>
          %dma_start3A = tpu.memref_slice %arg7[%mul3A_44] : memref<10240xf32, #tpu.memory_space<vmem>> -> memref<640xf32, #tpu.memory_space<vmem>>
          %dma_start3A_46 = arith.constant 0 : i32
          %dma_start3A_47 = tpu.memref_slice %arg15[%arg1, %scan3A_41, %dma_start3A_46] : memref<16x16x640xf32, #tpu.memory_space<vmem_shared>> -> memref<1x1x640xf32, #tpu.memory_space<vmem_shared>>
          %dma_start3A_48 = tpu.memref_squeeze %dma_start3A_47 : memref<1x1x640xf32, #tpu.memory_space<vmem_shared>> -> memref<640xf32, #tpu.memory_space<vmem_shared>>
          %dma_start3A_49 = arith.constant 0 : i32
          %dma_start3A_50 = tpu.memref_slice %arg15[%arg1, %scan3A_41, %dma_start3A_49] : memref<16x16x640xf32, #tpu.memory_space<vmem_shared>> -> memref<1x1x640xf32, #tpu.memory_space<vmem_shared>>
          %dma_start3A_51 = tpu.memref_squeeze %dma_start3A_50 : memref<1x1x640xf32, #tpu.memory_space<vmem_shared>> -> memref<640xf32, #tpu.memory_space<vmem_shared>>
          %dma_start3A_52 = tpu.memref_slice %arg7[%mul3A_44] : memref<10240xf32, #tpu.memory_space<vmem>> -> memref<640xf32, #tpu.memory_space<vmem>>
          tpu.enqueue_dma source(%dma_start3A_52 : memref<640xf32, #tpu.memory_space<vmem>>) target(%dma_start3A_51 : memref<640xf32, #tpu.memory_space<vmem_shared>>) target_semaphore(%run_scoped3A : memref<!tpu.dma_semaphore, #tpu.memory_space<semaphore_mem>>)
          %dma_wait3A = tpu.memref_slice %arg7[%mul3A_44] : memref<10240xf32, #tpu.memory_space<vmem>> -> memref<640xf32, #tpu.memory_space<vmem>>
          %dma_wait3A_53 = arith.constant 0 : i32
          %dma_wait3A_54 = tpu.memref_slice %arg15[%arg1, %scan3A_41, %dma_wait3A_53] : memref<16x16x640xf32, #tpu.memory_space<vmem_shared>> -> memref<1x1x640xf32, #tpu.memory_space<vmem_shared>>
          %dma_wait3A_55 = tpu.memref_squeeze %dma_wait3A_54 : memref<1x1x640xf32, #tpu.memory_space<vmem_shared>> -> memref<640xf32, #tpu.memory_space<vmem_shared>>
          %dma_wait3A_56 = arith.constant 0 : i32
          %dma_wait3A_57 = tpu.memref_slice %arg15[%arg1, %scan3A_41, %dma_wait3A_56] : memref<16x16x640xf32, #tpu.memory_space<vmem_shared>> -> memref<1x1x640xf32, #tpu.memory_space<vmem_shared>>
          %dma_wait3A_58 = tpu.memref_squeeze %dma_wait3A_57 : memref<1x1x640xf32, #tpu.memory_space<vmem_shared>> -> memref<640xf32, #tpu.memory_space<vmem_shared>>
          %dma_wait3A_59 = tpu.memref_slice %arg7[%mul3A_44] : memref<10240xf32, #tpu.memory_space<vmem>> -> memref<640xf32, #tpu.memory_space<vmem>>
          tpu.wait_dma2 semaphore(%run_scoped3A : memref<!tpu.dma_semaphore, #tpu.memory_space<semaphore_mem>>) src(%dma_wait3A_59 : memref<640xf32, #tpu.memory_space<vmem>>) dst(%dma_wait3A_58 : memref<640xf32, #tpu.memory_space<vmem_shared>>)
          tpu.yield
        }) : () -> ()
        %scan3A_45 = arith.constant 0 : i32
        scf.yield %scan3A_45 : i32
      }
      %scan3A_40 = arith.constant 16 : i32
    } else {
    }
    %barrier3A = arith.constant 0 : index
    tpu.barrier barrier_id(%barrier3A)
    %convert_element_type3A_8 = arith.extui %eq3A_0 : i1 to i32
    %cond3A_9 = arith.constant 0 : i32
    %cond3A_10 = arith.cmpi ne, %convert_element_type3A_8, %cond3A_9 : i32
    scf.if %cond3A_10 {
      %run_scoped3A = arith.constant 0 : i32
      "tpu.region"() ({
        %run_scoped3A_30 = tpu.sem_alloc : memref<!tpu.dma_semaphore, #tpu.memory_space<semaphore_mem>>
        %dma_start3A = arith.constant 0 : i32
        %dma_start3A_31 = tpu.memref_slice %arg15[%run_scoped3A, %arg1, %dma_start3A] : memref<16x16x640xf32, #tpu.memory_space<vmem_shared>> -> memref<1x1x640xf32, #tpu.memory_space<vmem_shared>>
        %dma_start3A_32 = tpu.memref_squeeze %dma_start3A_31 : memref<1x1x640xf32, #tpu.memory_space<vmem_shared>> -> memref<640xf32, #tpu.memory_space<vmem_shared>>
        %dma_start3A_33 = arith.constant 0 : i32
        %dma_start3A_34 = tpu.memref_slice %arg15[%run_scoped3A, %arg1, %dma_start3A_33] : memref<16x16x640xf32, #tpu.memory_space<vmem_shared>> -> memref<1x1x640xf32, #tpu.memory_space<vmem_shared>>
        %dma_start3A_35 = tpu.memref_squeeze %dma_start3A_34 : memref<1x1x640xf32, #tpu.memory_space<vmem_shared>> -> memref<640xf32, #tpu.memory_space<vmem_shared>>
        tpu.enqueue_dma source(%dma_start3A_35 : memref<640xf32, #tpu.memory_space<vmem_shared>>) target(%arg14 : memref<640xf32, #tpu.memory_space<vmem>>) target_semaphore(%run_scoped3A_30 : memref<!tpu.dma_semaphore, #tpu.memory_space<semaphore_mem>>)
        %dma_wait3A = arith.constant 0 : i32
        %dma_wait3A_36 = tpu.memref_slice %arg15[%run_scoped3A, %arg1, %dma_wait3A] : memref<16x16x640xf32, #tpu.memory_space<vmem_shared>> -> memref<1x1x640xf32, #tpu.memory_space<vmem_shared>>
        %dma_wait3A_37 = tpu.memref_squeeze %dma_wait3A_36 : memref<1x1x640xf32, #tpu.memory_space<vmem_shared>> -> memref<640xf32, #tpu.memory_space<vmem_shared>>
        %dma_wait3A_38 = arith.constant 0 : i32
        %dma_wait3A_39 = tpu.memref_slice %arg15[%run_scoped3A, %arg1, %dma_wait3A_38] : memref<16x16x640xf32, #tpu.memory_space<vmem_shared>> -> memref<1x1x640xf32, #tpu.memory_space<vmem_shared>>
        %dma_wait3A_40 = tpu.memref_squeeze %dma_wait3A_39 : memref<1x1x640xf32, #tpu.memory_space<vmem_shared>> -> memref<640xf32, #tpu.memory_space<vmem_shared>>
        tpu.wait_dma2 semaphore(%run_scoped3A_30 : memref<!tpu.dma_semaphore, #tpu.memory_space<semaphore_mem>>) src(%dma_wait3A_40 : memref<640xf32, #tpu.memory_space<vmem_shared>>) dst(%arg14 : memref<640xf32, #tpu.memory_space<vmem>>)
        tpu.yield
      }) : () -> ()
      %scan3A = arith.constant 0 : i32
      %scan3A_19 = arith.constant 1 : i32
      %scan3A_20 = arith.constant 15 : i32
      %scan3A_21 = arith.addi %scan3A_19, %scan3A_20 : i32
      %scan3A_22 = arith.constant 1 : i32
      %scan3A_23 = scf.for %scan3A_30 = %scan3A_19 to %scan3A_21 step %scan3A_22 iter_args(%scan3A_31 = %scan3A) -> (i32)  : i32 {
        "tpu.region"() ({
          %run_scoped3A_40 = tpu.sem_alloc : memref<!tpu.dma_semaphore, #tpu.memory_space<semaphore_mem>>
          %dma_start3A = arith.constant 0 : i32
          %dma_start3A_41 = tpu.memref_slice %arg15[%scan3A_30, %arg1, %dma_start3A] : memref<16x16x640xf32, #tpu.memory_space<vmem_shared>> -> memref<1x1x640xf32, #tpu.memory_space<vmem_shared>>
          %dma_start3A_42 = tpu.memref_squeeze %dma_start3A_41 : memref<1x1x640xf32, #tpu.memory_space<vmem_shared>> -> memref<640xf32, #tpu.memory_space<vmem_shared>>
          %dma_start3A_43 = arith.constant 0 : i32
          %dma_start3A_44 = tpu.memref_slice %arg15[%scan3A_30, %arg1, %dma_start3A_43] : memref<16x16x640xf32, #tpu.memory_space<vmem_shared>> -> memref<1x1x640xf32, #tpu.memory_space<vmem_shared>>
          %dma_start3A_45 = tpu.memref_squeeze %dma_start3A_44 : memref<1x1x640xf32, #tpu.memory_space<vmem_shared>> -> memref<640xf32, #tpu.memory_space<vmem_shared>>
          tpu.enqueue_dma source(%dma_start3A_45 : memref<640xf32, #tpu.memory_space<vmem_shared>>) target(%arg13 : memref<640xf32, #tpu.memory_space<vmem>>) target_semaphore(%run_scoped3A_40 : memref<!tpu.dma_semaphore, #tpu.memory_space<semaphore_mem>>)
          %dma_wait3A = arith.constant 0 : i32
          %dma_wait3A_46 = tpu.memref_slice %arg15[%scan3A_30, %arg1, %dma_wait3A] : memref<16x16x640xf32, #tpu.memory_space<vmem_shared>> -> memref<1x1x640xf32, #tpu.memory_space<vmem_shared>>
          %dma_wait3A_47 = tpu.memref_squeeze %dma_wait3A_46 : memref<1x1x640xf32, #tpu.memory_space<vmem_shared>> -> memref<640xf32, #tpu.memory_space<vmem_shared>>
          %dma_wait3A_48 = arith.constant 0 : i32
          %dma_wait3A_49 = tpu.memref_slice %arg15[%scan3A_30, %arg1, %dma_wait3A_48] : memref<16x16x640xf32, #tpu.memory_space<vmem_shared>> -> memref<1x1x640xf32, #tpu.memory_space<vmem_shared>>
          %dma_wait3A_50 = tpu.memref_squeeze %dma_wait3A_49 : memref<1x1x640xf32, #tpu.memory_space<vmem_shared>> -> memref<640xf32, #tpu.memory_space<vmem_shared>>
          tpu.wait_dma2 semaphore(%run_scoped3A_40 : memref<!tpu.dma_semaphore, #tpu.memory_space<semaphore_mem>>) src(%dma_wait3A_50 : memref<640xf32, #tpu.memory_space<vmem_shared>>) dst(%arg13 : memref<640xf32, #tpu.memory_space<vmem>>)
          tpu.yield
        }) : () -> ()
        %scan3A_32 = arith.constant 0 : i32
        %scan3A_33 = arith.constant 0 : i32
        %scan3A_34 = arith.constant 40 : i32
        %scan3A_35 = arith.addi %scan3A_33, %scan3A_34 : i32
        %scan3A_36 = arith.constant 1 : i32
        %scan3A_37 = scf.for %scan3A_40 = %scan3A_33 to %scan3A_35 step %scan3A_36 iter_args(%scan3A_41 = %scan3A_32) -> (i32)  : i32 {
          %mul3A_42 = arith.constant 16 : i32
          %mul3A_43 = arith.muli %scan3A_40, %mul3A_42 : i32
          %get3A = arith.index_cast %mul3A_43 : i32 to index
          %get3A_44 = tpu.vector_load %arg14[%get3A] {strides = array<i32>} : memref<640xf32, #tpu.memory_space<vmem>>, vector<16xf32>,
          %get3A_45 = arith.index_cast %mul3A_43 : i32 to index
          %get3A_46 = tpu.vector_load %arg13[%get3A_45] {strides = array<i32>} : memref<640xf32, #tpu.memory_space<vmem>>, vector<16xf32>,
          %max3A = arith.maximumf %get3A_44, %get3A_46 : vector<16xf32>
          %swap3A = arith.index_cast %mul3A_43 : i32 to index
          %swap3A_47 = tpu.vector_load %arg14[%swap3A] {strides = array<i32>} : memref<640xf32, #tpu.memory_space<vmem>>, vector<16xf32>,
          tpu.vector_store %arg14[%swap3A], %max3A {strides = array<i32>} : memref<640xf32, #tpu.memory_space<vmem>>, vector<16xf32>,
          %scan3A_48 = arith.constant 0 : i32
          scf.yield %scan3A_48 : i32
        }
        %scan3A_38 = arith.constant 40 : i32
        %scan3A_39 = arith.constant 0 : i32
        scf.yield %scan3A_39 : i32
      }
      %scan3A_24 = arith.constant 15 : i32
      "tpu.region"() ({
        %run_scoped3A_30 = tpu.sem_alloc : memref<!tpu.dma_semaphore, #tpu.memory_space<semaphore_mem>>
        %dma_start3A = arith.constant 0 : i32
        %dma_start3A_31 = tpu.memref_slice %arg16[%arg1, %dma_start3A] : memref<16x640xf32, #tpu.memory_space<vmem_shared>> -> memref<1x640xf32, #tpu.memory_space<vmem_shared>>
        %dma_start3A_32 = tpu.memref_squeeze %dma_start3A_31 : memref<1x640xf32, #tpu.memory_space<vmem_shared>> -> memref<640xf32, #tpu.memory_space<vmem_shared>>
        %dma_start3A_33 = arith.constant 0 : i32
        %dma_start3A_34 = tpu.memref_slice %arg16[%arg1, %dma_start3A_33] : memref<16x640xf32, #tpu.memory_space<vmem_shared>> -> memref<1x640xf32, #tpu.memory_space<vmem_shared>>
        %dma_start3A_35 = tpu.memref_squeeze %dma_start3A_34 : memref<1x640xf32, #tpu.memory_space<vmem_shared>> -> memref<640xf32, #tpu.memory_space<vmem_shared>>
        tpu.enqueue_dma source(%arg14 : memref<640xf32, #tpu.memory_space<vmem>>) target(%dma_start3A_35 : memref<640xf32, #tpu.memory_space<vmem_shared>>) target_semaphore(%run_scoped3A_30 : memref<!tpu.dma_semaphore, #tpu.memory_space<semaphore_mem>>)
        %dma_wait3A = arith.constant 0 : i32
        %dma_wait3A_36 = tpu.memref_slice %arg16[%arg1, %dma_wait3A] : memref<16x640xf32, #tpu.memory_space<vmem_shared>> -> memref<1x640xf32, #tpu.memory_space<vmem_shared>>
        %dma_wait3A_37 = tpu.memref_squeeze %dma_wait3A_36 : memref<1x640xf32, #tpu.memory_space<vmem_shared>> -> memref<640xf32, #tpu.memory_space<vmem_shared>>
        %dma_wait3A_38 = arith.constant 0 : i32
        %dma_wait3A_39 = tpu.memref_slice %arg16[%arg1, %dma_wait3A_38] : memref<16x640xf32, #tpu.memory_space<vmem_shared>> -> memref<1x640xf32, #tpu.memory_space<vmem_shared>>
        %dma_wait3A_40 = tpu.memref_squeeze %dma_wait3A_39 : memref<1x640xf32, #tpu.memory_space<vmem_shared>> -> memref<640xf32, #tpu.memory_space<vmem_shared>>
        tpu.wait_dma2 semaphore(%run_scoped3A_30 : memref<!tpu.dma_semaphore, #tpu.memory_space<semaphore_mem>>) src(%arg14 : memref<640xf32, #tpu.memory_space<vmem>>) dst(%dma_wait3A_40 : memref<640xf32, #tpu.memory_space<vmem_shared>>)
        tpu.yield
      }) : () -> ()
      %eq3A_25 = arith.constant 0 : i32
      %eq3A_26 = arith.cmpi eq, %arg1, %eq3A_25 : i32
      %convert_element_type3A_27 = arith.extui %eq3A_26 : i1 to i32
      %cond3A_28 = arith.constant 0 : i32
      %cond3A_29 = arith.cmpi ne, %convert_element_type3A_27, %cond3A_28 : i32
      scf.if %cond3A_29 {
        %scan3A_30 = arith.constant 0 : i32
        %scan3A_31 = arith.constant 0 : i32
        %scan3A_32 = arith.constant 640 : i32
        %scan3A_33 = arith.addi %scan3A_31, %scan3A_32 : i32
        %scan3A_34 = arith.constant 1 : i32
        %scan3A_35 = scf.for %scan3A_37 = %scan3A_31 to %scan3A_33 step %scan3A_34 iter_args(%scan3A_38 = %scan3A_30) -> (i32)  : i32 {
          %mul3A_39 = arith.constant 16 : i32
          %mul3A_40 = arith.muli %scan3A_37, %mul3A_39 : i32
          %swap3A = arith.index_cast %mul3A_40 : i32 to index
          %swap3A_41 = tpu.vector_load %arg8[%swap3A] {strides = array<i32>} : memref<10240xf32, #tpu.memory_space<vmem>>, vector<16xf32>,
          tpu.vector_store %arg8[%swap3A], %broadcast_in_dim3A_2 {strides = array<i32>} : memref<10240xf32, #tpu.memory_space<vmem>>, vector<16xf32>,
          %scan3A_42 = arith.constant 0 : i32
          scf.yield %scan3A_42 : i32
        }
        %scan3A_36 = arith.constant 640 : i32
        "tpu.region"() ({
          %run_scoped3A_37 = tpu.sem_alloc : memref<!tpu.dma_semaphore, #tpu.memory_space<semaphore_mem>>
          tpu.enqueue_dma source(%arg8 : memref<10240xf32, #tpu.memory_space<vmem>>) target(%arg17 : memref<10240xf32, #tpu.memory_space<vmem_shared>>) target_semaphore(%run_scoped3A_37 : memref<!tpu.dma_semaphore, #tpu.memory_space<semaphore_mem>>)
          tpu.wait_dma2 semaphore(%run_scoped3A_37 : memref<!tpu.dma_semaphore, #tpu.memory_space<semaphore_mem>>) src(%arg8 : memref<10240xf32, #tpu.memory_space<vmem>>) dst(%arg17 : memref<10240xf32, #tpu.memory_space<vmem_shared>>)
          tpu.yield
        }) : () -> ()
      } else {
      }
    } else {
    }
    %barrier3A_11 = arith.constant 0 : index
    tpu.barrier barrier_id(%barrier3A_11)
    %convert_element_type3A_12 = arith.extui %eq3A_0 : i1 to i32
    %cond3A_13 = arith.constant 0 : i32
    %cond3A_14 = arith.cmpi ne, %convert_element_type3A_12, %cond3A_13 : i32
    scf.if %cond3A_14 {
      %scan3A = arith.constant 0 : i32
      %scan3A_19 = arith.constant 0 : i32
      %scan3A_20 = arith.constant 16 : i32
      %scan3A_21 = arith.addi %scan3A_19, %scan3A_20 : i32
      %scan3A_22 = arith.constant 1 : i32
      %scan3A_23 = scf.for %scan3A_39 = %scan3A_19 to %scan3A_21 step %scan3A_22 iter_args(%scan3A_40 = %scan3A) -> (i32)  : i32 {
        %mul3A_41 = arith.constant 640 : i32
        %mul3A_42 = arith.muli %scan3A_39, %mul3A_41 : i32
        "tpu.region"() ({
          %run_scoped3A = tpu.sem_alloc : memref<!tpu.dma_semaphore, #tpu.memory_space<semaphore_mem>>
          %dma_start3A = tpu.memref_slice %arg7[%mul3A_42] : memref<10240xf32, #tpu.memory_space<vmem>> -> memref<640xf32, #tpu.memory_space<vmem>>
          %dma_start3A_44 = arith.constant 0 : i32
          %dma_start3A_45 = tpu.memref_slice %arg16[%scan3A_39, %dma_start3A_44] : memref<16x640xf32, #tpu.memory_space<vmem_shared>> -> memref<1x640xf32, #tpu.memory_space<vmem_shared>>
          %dma_start3A_46 = tpu.memref_squeeze %dma_start3A_45 : memref<1x640xf32, #tpu.memory_space<vmem_shared>> -> memref<640xf32, #tpu.memory_space<vmem_shared>>
          %dma_start3A_47 = tpu.memref_slice %arg7[%mul3A_42] : memref<10240xf32, #tpu.memory_space<vmem>> -> memref<640xf32, #tpu.memory_space<vmem>>
          %dma_start3A_48 = arith.constant 0 : i32
          %dma_start3A_49 = tpu.memref_slice %arg16[%scan3A_39, %dma_start3A_48] : memref<16x640xf32, #tpu.memory_space<vmem_shared>> -> memref<1x640xf32, #tpu.memory_space<vmem_shared>>
          %dma_start3A_50 = tpu.memref_squeeze %dma_start3A_49 : memref<1x640xf32, #tpu.memory_space<vmem_shared>> -> memref<640xf32, #tpu.memory_space<vmem_shared>>
          tpu.enqueue_dma source(%dma_start3A_50 : memref<640xf32, #tpu.memory_space<vmem_shared>>) target(%dma_start3A_47 : memref<640xf32, #tpu.memory_space<vmem>>) target_semaphore(%run_scoped3A : memref<!tpu.dma_semaphore, #tpu.memory_space<semaphore_mem>>)
          %dma_wait3A = tpu.memref_slice %arg7[%mul3A_42] : memref<10240xf32, #tpu.memory_space<vmem>> -> memref<640xf32, #tpu.memory_space<vmem>>
          %dma_wait3A_51 = arith.constant 0 : i32
          %dma_wait3A_52 = tpu.memref_slice %arg16[%scan3A_39, %dma_wait3A_51] : memref<16x640xf32, #tpu.memory_space<vmem_shared>> -> memref<1x640xf32, #tpu.memory_space<vmem_shared>>
          %dma_wait3A_53 = tpu.memref_squeeze %dma_wait3A_52 : memref<1x640xf32, #tpu.memory_space<vmem_shared>> -> memref<640xf32, #tpu.memory_space<vmem_shared>>
          %dma_wait3A_54 = tpu.memref_slice %arg7[%mul3A_42] : memref<10240xf32, #tpu.memory_space<vmem>> -> memref<640xf32, #tpu.memory_space<vmem>>
          %dma_wait3A_55 = arith.constant 0 : i32
          %dma_wait3A_56 = tpu.memref_slice %arg16[%scan3A_39, %dma_wait3A_55] : memref<16x640xf32, #tpu.memory_space<vmem_shared>> -> memref<1x640xf32, #tpu.memory_space<vmem_shared>>
          %dma_wait3A_57 = tpu.memref_squeeze %dma_wait3A_56 : memref<1x640xf32, #tpu.memory_space<vmem_shared>> -> memref<640xf32, #tpu.memory_space<vmem_shared>>
          tpu.wait_dma2 semaphore(%run_scoped3A : memref<!tpu.dma_semaphore, #tpu.memory_space<semaphore_mem>>) src(%dma_wait3A_57 : memref<640xf32, #tpu.memory_space<vmem_shared>>) dst(%dma_wait3A_54 : memref<640xf32, #tpu.memory_space<vmem>>)
          tpu.yield
        }) : () -> ()
        %scan3A_43 = arith.constant 0 : i32
        scf.yield %scan3A_43 : i32
      }
      %scan3A_24 = arith.constant 16 : i32
      %scan3A_25 = arith.constant 0 : i32
      %scan3A_26 = arith.constant 0 : i32
      %scan3A_27 = arith.constant 632 : i32
      %scan3A_28 = arith.addi %scan3A_26, %scan3A_27 : i32
      %scan3A_29 = arith.constant 1 : i32
      %scan3A_30 = scf.for %scan3A_39 = %scan3A_26 to %scan3A_28 step %scan3A_29 iter_args(%scan3A_40 = %scan3A_25) -> (i32)  : i32 {
        %mul3A_41 = arith.constant 16 : i32
        %mul3A_42 = arith.muli %scan3A_39, %mul3A_41 : i32
        %get3A = arith.index_cast %mul3A_42 : i32 to index
        %get3A_43 = tpu.vector_load %arg10[%get3A] {strides = array<i32>} : memref<10112xi32, #tpu.memory_space<vmem>>, vector<16xi32>,
        %gather3A = tpu.vector_load_idx %arg7[%get3A_43] : memref<10240xf32, #tpu.memory_space<vmem>>[vector<16xi32>], vector<16xf32>,
        %get3A_44 = arith.index_cast %mul3A_42 : i32 to index
        %get3A_45 = tpu.vector_load %arg12[%get3A_44] {strides = array<i32>} : memref<10112xf32, #tpu.memory_space<vmem>>, vector<16xf32>,
        %sub3A = arith.subf %get3A_45, %gather3A : vector<16xf32>
        %exp3A = math.exp %sub3A : vector<16xf32>
        %swap3A = arith.index_cast %mul3A_42 : i32 to index
        %swap3A_46 = tpu.vector_load %arg12[%swap3A] {strides = array<i32>} : memref<10112xf32, #tpu.memory_space<vmem>>, vector<16xf32>,
        tpu.vector_store %arg12[%swap3A], %exp3A {strides = array<i32>} : memref<10112xf32, #tpu.memory_space<vmem>>, vector<16xf32>,
        %scan3A_47 = arith.constant 0 : i32
        scf.yield %scan3A_47 : i32
      }
      %scan3A_31 = arith.constant 632 : i32
      %scan3A_32 = arith.constant 0 : i32
      %scan3A_33 = arith.constant 0 : i32
      %scan3A_34 = arith.constant 79 : i32
      %scan3A_35 = arith.addi %scan3A_33, %scan3A_34 : i32
      %scan3A_36 = arith.constant 1 : i32
      %scan3A_37 = scf.for %scan3A_39 = %scan3A_33 to %scan3A_35 step %scan3A_36 iter_args(%scan3A_40 = %scan3A_32) -> (i32)  : i32 {
        %mul3A_41 = arith.constant 128 : i32
        %mul3A_42 = arith.muli %scan3A_39, %mul3A_41 : i32
        "tpu.region"() ({
          %run_scoped3A = tpu.sem_alloc : memref<!tpu.dma_semaphore, #tpu.memory_space<semaphore_mem>>
          %dma_start3A = tpu.memref_slice %arg12[%mul3A_42] : memref<10112xf32, #tpu.memory_space<vmem>> -> memref<128xf32, #tpu.memory_space<vmem>>
          %dma_start3A_44 = arith.constant 0 : i32
          %dma_start3A_45 = tpu.memref_slice %arg11[%scan3A_39, %dma_start3A_44] : memref<79x128xi32, #tpu.memory_space<vmem>> -> memref<1x128xi32, #tpu.memory_space<vmem>>
          %dma_start3A_46 = tpu.memref_squeeze %dma_start3A_45 : memref<1x128xi32, #tpu.memory_space<vmem>> -> memref<128xi32, #tpu.memory_space<vmem>>
          %dma_start3A_47 = arith.constant 0 : i32
          %dma_start3A_48 = tpu.memref_slice %arg17[%dma_start3A_47] : memref<10240xf32, #tpu.memory_space<vmem_shared>> -> memref<10240xf32, #tpu.memory_space<vmem_shared>>
          tpu.enqueue_indirect_dma source(%dma_start3A : memref<128xf32, #tpu.memory_space<vmem>>) target(%dma_start3A_48 : memref<10240xf32, #tpu.memory_space<vmem_shared>>) offsets(%dma_start3A_46 : memref<128xi32, #tpu.memory_space<vmem>>) semaphore(%run_scoped3A : memref<!tpu.dma_semaphore, #tpu.memory_space<semaphore_mem>>) {add = true}
          %dma_wait3A = tpu.memref_slice %arg12[%mul3A_42] : memref<10112xf32, #tpu.memory_space<vmem>> -> memref<128xf32, #tpu.memory_space<vmem>>
          %dma_wait3A_49 = arith.constant 0 : i32
          %dma_wait3A_50 = tpu.memref_slice %arg11[%scan3A_39, %dma_wait3A_49] : memref<79x128xi32, #tpu.memory_space<vmem>> -> memref<1x128xi32, #tpu.memory_space<vmem>>
          %dma_wait3A_51 = tpu.memref_squeeze %dma_wait3A_50 : memref<1x128xi32, #tpu.memory_space<vmem>> -> memref<128xi32, #tpu.memory_space<vmem>>
          %dma_wait3A_52 = arith.constant 0 : i32
          %dma_wait3A_53 = tpu.memref_slice %arg17[%dma_wait3A_52] : memref<10240xf32, #tpu.memory_space<vmem_shared>> -> memref<10240xf32, #tpu.memory_space<vmem_shared>>
          tpu.wait_indirect_dma semaphore(%run_scoped3A : memref<!tpu.dma_semaphore, #tpu.memory_space<semaphore_mem>>) src(%dma_wait3A : memref<128xf32, #tpu.memory_space<vmem>>) dst(%dma_wait3A_53 : memref<10240xf32, #tpu.memory_space<vmem_shared>>)
          tpu.yield
        }) : () -> ()
        %scan3A_43 = arith.constant 0 : i32
        scf.yield %scan3A_43 : i32
      }
      %scan3A_38 = arith.constant 79 : i32
    } else {
    }
    %barrier3A_15 = arith.constant 0 : index
    tpu.barrier barrier_id(%barrier3A_15)
    %convert_element_type3A_16 = arith.extui %eq3A_0 : i1 to i32
    %cond3A_17 = arith.constant 0 : i32
    %cond3A_18 = arith.cmpi ne, %convert_element_type3A_16, %cond3A_17 : i32
    scf.if %cond3A_18 {
      "tpu.region"() ({
        %run_scoped3A = tpu.sem_alloc : memref<!tpu.dma_semaphore, #tpu.memory_space<semaphore_mem>>
        tpu.enqueue_dma source(%arg17 : memref<10240xf32, #tpu.memory_space<vmem_shared>>) target(%arg8 : memref<10240xf32, #tpu.memory_space<vmem>>) target_semaphore(%run_scoped3A : memref<!tpu.dma_semaphore, #tpu.memory_space<semaphore_mem>>)
        tpu.wait_dma2 semaphore(%run_scoped3A : memref<!tpu.dma_semaphore, #tpu.memory_space<semaphore_mem>>) src(%arg17 : memref<10240xf32, #tpu.memory_space<vmem_shared>>) dst(%arg8 : memref<10240xf32, #tpu.memory_space<vmem>>)
        tpu.yield
      }) : () -> ()
      "tpu.region"() ({
        %run_scoped3A = tpu.sem_alloc : memref<!tpu.dma_semaphore, #tpu.memory_space<semaphore_mem>>
        %dma_start3A = arith.constant 0 : i32
        %dma_start3A_25 = tpu.memref_slice %arg9[%dma_start3A] : memref<10240xf32, #tpu.memory_space<vmem>> -> memref<10000xf32, #tpu.memory_space<vmem>>
        %dma_start3A_26 = arith.constant 0 : i32
        %dma_start3A_27 = tpu.memref_slice %arg9[%dma_start3A_26] : memref<10240xf32, #tpu.memory_space<vmem>> -> memref<10000xf32, #tpu.memory_space<vmem>>
        tpu.enqueue_dma source(%arg5 : memref<10000xf32, #tpu.memory_space<hbm>>) target(%dma_start3A_27 : memref<10000xf32, #tpu.memory_space<vmem>>) target_semaphore(%run_scoped3A : memref<!tpu.dma_semaphore, #tpu.memory_space<semaphore_mem>>)
        %dma_wait3A = arith.constant 0 : i32
        %dma_wait3A_28 = tpu.memref_slice %arg9[%dma_wait3A] : memref<10240xf32, #tpu.memory_space<vmem>> -> memref<10000xf32, #tpu.memory_space<vmem>>
        %dma_wait3A_29 = arith.constant 0 : i32
        %dma_wait3A_30 = tpu.memref_slice %arg9[%dma_wait3A_29] : memref<10240xf32, #tpu.memory_space<vmem>> -> memref<10000xf32, #tpu.memory_space<vmem>>
        tpu.wait_dma2 semaphore(%run_scoped3A : memref<!tpu.dma_semaphore, #tpu.memory_space<semaphore_mem>>) src(%arg5 : memref<10000xf32, #tpu.memory_space<hbm>>) dst(%dma_wait3A_30 : memref<10000xf32, #tpu.memory_space<vmem>>)
        tpu.yield
      }) : () -> ()
      %scan3A = arith.constant 0 : i32
      %scan3A_19 = arith.constant 0 : i32
      %scan3A_20 = arith.constant 632 : i32
      %scan3A_21 = arith.addi %scan3A_19, %scan3A_20 : i32
      %scan3A_22 = arith.constant 1 : i32
      %scan3A_23 = scf.for %scan3A_25 = %scan3A_19 to %scan3A_21 step %scan3A_22 iter_args(%scan3A_26 = %scan3A) -> (i32)  : i32 {
        %mul3A_27 = arith.constant 16 : i32
        %mul3A_28 = arith.muli %scan3A_25, %mul3A_27 : i32
        %get3A = arith.index_cast %mul3A_28 : i32 to index
        %get3A_29 = tpu.vector_load %arg10[%get3A] {strides = array<i32>} : memref<10112xi32, #tpu.memory_space<vmem>>, vector<16xi32>,
        %gather3A = tpu.vector_load_idx %arg8[%get3A_29] : memref<10240xf32, #tpu.memory_space<vmem>>[vector<16xi32>], vector<16xf32>,
        %gather3A_30 = tpu.vector_load_idx %arg9[%get3A_29] : memref<10240xf32, #tpu.memory_space<vmem>>[vector<16xi32>], vector<16xf32>,
        %get3A_31 = arith.index_cast %mul3A_28 : i32 to index
        %get3A_32 = tpu.vector_load %arg12[%get3A_31] {strides = array<i32>} : memref<10112xf32, #tpu.memory_space<vmem>>, vector<16xf32>,
        %mul3A_33 = arith.mulf %get3A_32, %gather3A_30 : vector<16xf32>
        %div3A = arith.divf %mul3A_33, %gather3A : vector<16xf32>
        %swap3A = arith.index_cast %mul3A_28 : i32 to index
        %swap3A_34 = tpu.vector_load %arg12[%swap3A] {strides = array<i32>} : memref<10112xf32, #tpu.memory_space<vmem>>, vector<16xf32>,
        tpu.vector_store %arg12[%swap3A], %div3A {strides = array<i32>} : memref<10112xf32, #tpu.memory_space<vmem>>, vector<16xf32>,
        %scan3A_35 = arith.constant 0 : i32
        scf.yield %scan3A_35 : i32
      }
      %scan3A_24 = arith.constant 632 : i32
      "tpu.region"() ({
        %run_scoped3A = tpu.sem_alloc : memref<!tpu.dma_semaphore, #tpu.memory_space<semaphore_mem>>
        %dma_start3A = tpu.memref_slice %arg6[%mul3A_1] : memref<161792xf32, #tpu.memory_space<hbm>> -> memref<10112xf32, #tpu.memory_space<hbm>>
        %dma_start3A_25 = tpu.memref_slice %arg6[%mul3A_1] : memref<161792xf32, #tpu.memory_space<hbm>> -> memref<10112xf32, #tpu.memory_space<hbm>>
        tpu.enqueue_dma source(%arg12 : memref<10112xf32, #tpu.memory_space<vmem>>) target(%dma_start3A_25 : memref<10112xf32, #tpu.memory_space<hbm>>) target_semaphore(%run_scoped3A : memref<!tpu.dma_semaphore, #tpu.memory_space<semaphore_mem>>)
        %dma_wait3A = tpu.memref_slice %arg6[%mul3A_1] : memref<161792xf32, #tpu.memory_space<hbm>> -> memref<10112xf32, #tpu.memory_space<hbm>>
        %dma_wait3A_26 = tpu.memref_slice %arg6[%mul3A_1] : memref<161792xf32, #tpu.memory_space<hbm>> -> memref<10112xf32, #tpu.memory_space<hbm>>
        tpu.wait_dma2 semaphore(%run_scoped3A : memref<!tpu.dma_semaphore, #tpu.memory_space<semaphore_mem>>) src(%arg12 : memref<10112xf32, #tpu.memory_space<vmem>>) dst(%dma_wait3A_26 : memref<10112xf32, #tpu.memory_space<hbm>>)
        tpu.yield
      }) : () -> ()
    } else {
    }
    return
  }
}

#map = affine_map<(d0, d1) -> (0, 0, 0)>
#map1 = affine_map<(d0, d1) -> (0, 0)>
module attributes {stable_mosaic.version = 14 : i64} {
  func.func @_gather_body(%arg0: i32, %arg1: i32, %arg2: memref<32x80x128xi32, #tpu.memory_space<hbm>>, %arg3: memref<10000x128xf32, #tpu.memory_space<hbm>>, %arg4: memref<160000x128xf32, #tpu.memory_space<hbm>>, %arg5: memref<160000x128xf32, #tpu.memory_space<hbm>>, %arg6: memref<80x128xi32, #tpu.memory_space<vmem>>, %arg7: memref<128x128xf32, #tpu.memory_space<vmem>>, %arg8: memref<128x128xf32, #tpu.memory_space<vmem>>, %arg9: memref<10000x128xf32, #tpu.memory_space<vmem_shared>>, %arg10: memref<!tpu.dma_semaphore, #tpu.memory_space<semaphore_mem>>, %arg11: memref<!tpu.dma_semaphore, #tpu.memory_space<semaphore_mem>>) attributes {dimension_semantics = [#tpu.dimension_semantics<core_parallel>, #tpu.dimension_semantics<subcore_parallel>], iteration_bounds = array<i64: 2, 16>, scalar_prefetch = 0 : i64, scratch_operands = 6 : i64, tpu.core_type = #tpu.core_type<sc_vector_subcore>, window_params = [{transform_indices = #map}, {transform_indices = #map1}, {transform_indices = #map1}, {transform_indices = #map1}]} {
    %mul3A = arith.constant 2 : i32
    %mul3A_0 = arith.muli %arg1, %mul3A : i32
    %add3A = arith.addi %mul3A_0, %arg0 : i32
    %mul3A_1 = arith.constant 5000 : i32
    %mul3A_2 = arith.muli %add3A, %mul3A_1 : i32
    "tpu.region"() ({
      %run_scoped3A = tpu.sem_alloc : memref<!tpu.dma_semaphore, #tpu.memory_space<semaphore_mem>>
      %dma_start3A_17 = arith.constant 0 : i32
      %dma_start3A_18 = arith.constant 0 : i32
      %dma_start3A_19 = tpu.memref_slice %arg2[%add3A, %dma_start3A_17, %dma_start3A_18] : memref<32x80x128xi32, #tpu.memory_space<hbm>> -> memref<1x80x128xi32, #tpu.memory_space<hbm>>
      %dma_start3A_20 = tpu.memref_squeeze %dma_start3A_19 : memref<1x80x128xi32, #tpu.memory_space<hbm>> -> memref<80x128xi32, #tpu.memory_space<hbm>>
      %dma_start3A_21 = arith.constant 0 : i32
      %dma_start3A_22 = arith.constant 0 : i32
      %dma_start3A_23 = tpu.memref_slice %arg2[%add3A, %dma_start3A_21, %dma_start3A_22] : memref<32x80x128xi32, #tpu.memory_space<hbm>> -> memref<1x80x128xi32, #tpu.memory_space<hbm>>
      %dma_start3A_24 = tpu.memref_squeeze %dma_start3A_23 : memref<1x80x128xi32, #tpu.memory_space<hbm>> -> memref<80x128xi32, #tpu.memory_space<hbm>>
      tpu.enqueue_dma source(%dma_start3A_24 : memref<80x128xi32, #tpu.memory_space<hbm>>) target(%arg6 : memref<80x128xi32, #tpu.memory_space<vmem>>) target_semaphore(%run_scoped3A : memref<!tpu.dma_semaphore, #tpu.memory_space<semaphore_mem>>)
      %dma_wait3A = arith.constant 0 : i32
      %dma_wait3A_25 = arith.constant 0 : i32
      %dma_wait3A_26 = tpu.memref_slice %arg2[%add3A, %dma_wait3A, %dma_wait3A_25] : memref<32x80x128xi32, #tpu.memory_space<hbm>> -> memref<1x80x128xi32, #tpu.memory_space<hbm>>
      %dma_wait3A_27 = tpu.memref_squeeze %dma_wait3A_26 : memref<1x80x128xi32, #tpu.memory_space<hbm>> -> memref<80x128xi32, #tpu.memory_space<hbm>>
      %dma_wait3A_28 = arith.constant 0 : i32
      %dma_wait3A_29 = arith.constant 0 : i32
      %dma_wait3A_30 = tpu.memref_slice %arg2[%add3A, %dma_wait3A_28, %dma_wait3A_29] : memref<32x80x128xi32, #tpu.memory_space<hbm>> -> memref<1x80x128xi32, #tpu.memory_space<hbm>>
      %dma_wait3A_31 = tpu.memref_squeeze %dma_wait3A_30 : memref<1x80x128xi32, #tpu.memory_space<hbm>> -> memref<80x128xi32, #tpu.memory_space<hbm>>
      tpu.wait_dma2 semaphore(%run_scoped3A : memref<!tpu.dma_semaphore, #tpu.memory_space<semaphore_mem>>) src(%dma_wait3A_31 : memref<80x128xi32, #tpu.memory_space<hbm>>) dst(%arg6 : memref<80x128xi32, #tpu.memory_space<vmem>>)
      tpu.yield
    }) : () -> ()
    %eq3A = arith.constant 0 : i32
    %eq3A_3 = arith.cmpi eq, %arg1, %eq3A : i32
    %convert_element_type3A = arith.extui %eq3A_3 : i1 to i32
    %cond3A = arith.constant 0 : i32
    %cond3A_4 = arith.cmpi ne, %convert_element_type3A, %cond3A : i32
    scf.if %cond3A_4 {
      "tpu.region"() ({
        %run_scoped3A = tpu.sem_alloc : memref<!tpu.dma_semaphore, #tpu.memory_space<semaphore_mem>>
        tpu.enqueue_dma source(%arg3 : memref<10000x128xf32, #tpu.memory_space<hbm>>) target(%arg9 : memref<10000x128xf32, #tpu.memory_space<vmem_shared>>) target_semaphore(%run_scoped3A : memref<!tpu.dma_semaphore, #tpu.memory_space<semaphore_mem>>)
        tpu.wait_dma2 semaphore(%run_scoped3A : memref<!tpu.dma_semaphore, #tpu.memory_space<semaphore_mem>>) src(%arg3 : memref<10000x128xf32, #tpu.memory_space<hbm>>) dst(%arg9 : memref<10000x128xf32, #tpu.memory_space<vmem_shared>>)
        tpu.yield
      }) : () -> ()
    } else {
    }
    %barrier3A = arith.constant 0 : index
    tpu.barrier barrier_id(%barrier3A)
    %dma_start3A = arith.constant 0 : i32
    %dma_start3A_5 = arith.constant 0 : i32
    %dma_start3A_6 = tpu.memref_slice %arg6[%dma_start3A, %dma_start3A_5] : memref<80x128xi32, #tpu.memory_space<vmem>> -> memref<1x128xi32, #tpu.memory_space<vmem>>
    %dma_start3A_7 = tpu.memref_squeeze %dma_start3A_6 : memref<1x128xi32, #tpu.memory_space<vmem>> -> memref<128xi32, #tpu.memory_space<vmem>>
    %dma_start3A_8 = arith.constant 0 : i32
    %dma_start3A_9 = arith.constant 0 : i32
    %dma_start3A_10 = tpu.memref_slice %arg9[%dma_start3A_8, %dma_start3A_9] : memref<10000x128xf32, #tpu.memory_space<vmem_shared>> -> memref<10000x128xf32, #tpu.memory_space<vmem_shared>>
    tpu.enqueue_indirect_dma source(%dma_start3A_10 : memref<10000x128xf32, #tpu.memory_space<vmem_shared>>) target(%arg7 : memref<128x128xf32, #tpu.memory_space<vmem>>) offsets(%dma_start3A_7 : memref<128xi32, #tpu.memory_space<vmem>>) semaphore(%arg10 : memref<!tpu.dma_semaphore, #tpu.memory_space<semaphore_mem>>)
    %scan3A = arith.constant 0 : i32
    %scan3A_11 = arith.constant 0 : i32
    %scan3A_12 = arith.constant 80 : i32
    %scan3A_13 = arith.addi %scan3A_11, %scan3A_12 : i32
    %scan3A_14 = arith.constant 1 : i32
    %scan3A_15 = scf.for %scan3A_17 = %scan3A_11 to %scan3A_13 step %scan3A_14 iter_args(%scan3A_18 = %scan3A) -> (i32)  : i32 {
      %jit3A = arith.constant 2 : i32
      %eq3A_19 = arith.constant 0 : i32
      %eq3A_20 = arith.cmpi eq, %jit3A, %eq3A_19 : i32
      %jit3A_21 = arith.constant 1 : i32
      %select_n3A = arith.select %eq3A_20, %jit3A_21, %jit3A : i32
      %rem3A = arith.remsi %scan3A_17, %select_n3A : i32
      %ne3A = arith.constant 0 : i32
      %ne3A_22 = arith.cmpi ne, %rem3A, %ne3A : i32
      %lt3A = arith.constant 0 : i32
      %lt3A_23 = arith.cmpi slt, %rem3A, %lt3A : i32
      %lt3A_24 = arith.constant 0 : i32
      %lt3A_25 = arith.cmpi slt, %select_n3A, %lt3A_24 : i32
      %ne3A_26 = arith.xori %lt3A_23, %lt3A_25 : i1
      %and3A = arith.andi %ne3A_26, %ne3A_22 : i1
      %add3A_27 = arith.addi %rem3A, %select_n3A : i32
      %select_n3A_28 = arith.select %and3A, %add3A_27, %rem3A : i32
      %eq3A_29 = arith.constant 0 : i32
      %eq3A_30 = arith.cmpi eq, %select_n3A_28, %eq3A_29 : i32
      %convert_element_type3A_31 = arith.extui %eq3A_30 : i1 to i32
      %cond3A_32 = arith.constant 0 : i32
      %cond3A_33 = arith.cmpi ne, %convert_element_type3A_31, %cond3A_32 : i32
      scf.if %cond3A_33 {
        %add3A_56 = arith.constant 1 : i32
        %add3A_57 = arith.addi %scan3A_17, %add3A_56 : i32
        %lt3A_58 = arith.constant 80 : i32
        %lt3A_59 = arith.cmpi slt, %add3A_57, %lt3A_58 : i32
        %convert_element_type3A_60 = arith.extui %lt3A_59 : i1 to i32
        %cond3A_61 = arith.constant 0 : i32
        %cond3A_62 = arith.cmpi ne, %convert_element_type3A_60, %cond3A_61 : i32
        scf.if %cond3A_62 {
          %add3A_90 = arith.constant 1 : i32
          %add3A_91 = arith.addi %scan3A_17, %add3A_90 : i32
          %dma_start3A_92 = arith.constant 0 : i32
          %dma_start3A_93 = tpu.memref_slice %arg6[%add3A_91, %dma_start3A_92] : memref<80x128xi32, #tpu.memory_space<vmem>> -> memref<1x128xi32, #tpu.memory_space<vmem>>
          %dma_start3A_94 = tpu.memref_squeeze %dma_start3A_93 : memref<1x128xi32, #tpu.memory_space<vmem>> -> memref<128xi32, #tpu.memory_space<vmem>>
          %dma_start3A_95 = arith.constant 0 : i32
          %dma_start3A_96 = arith.constant 0 : i32
          %dma_start3A_97 = tpu.memref_slice %arg9[%dma_start3A_95, %dma_start3A_96] : memref<10000x128xf32, #tpu.memory_space<vmem_shared>> -> memref<10000x128xf32, #tpu.memory_space<vmem_shared>>
          tpu.enqueue_indirect_dma source(%dma_start3A_97 : memref<10000x128xf32, #tpu.memory_space<vmem_shared>>) target(%arg8 : memref<128x128xf32, #tpu.memory_space<vmem>>) offsets(%dma_start3A_94 : memref<128xi32, #tpu.memory_space<vmem>>) semaphore(%arg11 : memref<!tpu.dma_semaphore, #tpu.memory_space<semaphore_mem>>)
        } else {
        }
        %dma_wait3A = arith.constant 0 : i32
        %dma_wait3A_63 = arith.constant 0 : i32
        %dma_wait3A_64 = tpu.memref_slice %arg3[%dma_wait3A, %dma_wait3A_63] : memref<10000x128xf32, #tpu.memory_space<hbm>> -> memref<128x128xf32, #tpu.memory_space<hbm>>
        %dma_wait3A_65 = arith.constant 0 : i32
        %dma_wait3A_66 = arith.constant 0 : i32
        %dma_wait3A_67 = tpu.memref_slice %arg3[%dma_wait3A_65, %dma_wait3A_66] : memref<10000x128xf32, #tpu.memory_space<hbm>> -> memref<128x128xf32, #tpu.memory_space<hbm>>
        tpu.wait_dma2 semaphore(%arg10 : memref<!tpu.dma_semaphore, #tpu.memory_space<semaphore_mem>>) src(%dma_wait3A_67 : memref<128x128xf32, #tpu.memory_space<hbm>>) dst(%arg7 : memref<128x128xf32, #tpu.memory_space<vmem>>)
        %lt3A_68 = arith.constant 39 : i32
        %lt3A_69 = arith.cmpi slt, %scan3A_17, %lt3A_68 : i32
        %convert_element_type3A_70 = arith.extui %lt3A_69 : i1 to i32
        %cond3A_71 = arith.constant 0 : i32
        %cond3A_72 = arith.cmpi ne, %convert_element_type3A_70, %cond3A_71 : i32
        scf.if %cond3A_72 {
          %mul3A_90 = arith.constant 128 : i32
          %mul3A_91 = arith.muli %scan3A_17, %mul3A_90 : i32
          %add3A_92 = arith.addi %mul3A_2, %mul3A_91 : i32
          "tpu.region"() ({
            %run_scoped3A = tpu.sem_alloc : memref<!tpu.dma_semaphore, #tpu.memory_space<semaphore_mem>>
            %dma_start3A_93 = arith.constant 0 : i32
            %dma_start3A_94 = tpu.memref_slice %arg4[%add3A_92, %dma_start3A_93] : memref<160000x128xf32, #tpu.memory_space<hbm>> -> memref<128x128xf32, #tpu.memory_space<hbm>>
            %dma_start3A_95 = arith.constant 0 : i32
            %dma_start3A_96 = tpu.memref_slice %arg4[%add3A_92, %dma_start3A_95] : memref<160000x128xf32, #tpu.memory_space<hbm>> -> memref<128x128xf32, #tpu.memory_space<hbm>>
            tpu.enqueue_dma source(%arg7 : memref<128x128xf32, #tpu.memory_space<vmem>>) target(%dma_start3A_96 : memref<128x128xf32, #tpu.memory_space<hbm>>) target_semaphore(%run_scoped3A : memref<!tpu.dma_semaphore, #tpu.memory_space<semaphore_mem>>)
            %dma_wait3A_97 = arith.constant 0 : i32
            %dma_wait3A_98 = tpu.memref_slice %arg4[%add3A_92, %dma_wait3A_97] : memref<160000x128xf32, #tpu.memory_space<hbm>> -> memref<128x128xf32, #tpu.memory_space<hbm>>
            %dma_wait3A_99 = arith.constant 0 : i32
            %dma_wait3A_100 = tpu.memref_slice %arg4[%add3A_92, %dma_wait3A_99] : memref<160000x128xf32, #tpu.memory_space<hbm>> -> memref<128x128xf32, #tpu.memory_space<hbm>>
            tpu.wait_dma2 semaphore(%run_scoped3A : memref<!tpu.dma_semaphore, #tpu.memory_space<semaphore_mem>>) src(%arg7 : memref<128x128xf32, #tpu.memory_space<vmem>>) dst(%dma_wait3A_100 : memref<128x128xf32, #tpu.memory_space<hbm>>)
            tpu.yield
          }) : () -> ()
        } else {
        }
        %eq3A_73 = arith.constant 39 : i32
        %eq3A_74 = arith.cmpi eq, %scan3A_17, %eq3A_73 : i32
        %convert_element_type3A_75 = arith.extui %eq3A_74 : i1 to i32
        %cond3A_76 = arith.constant 0 : i32
        %cond3A_77 = arith.cmpi ne, %convert_element_type3A_75, %cond3A_76 : i32
        scf.if %cond3A_77 {
          %add3A_90 = arith.constant 4992 : i32
          %add3A_91 = arith.addi %mul3A_2, %add3A_90 : i32
          "tpu.region"() ({
            %run_scoped3A = tpu.sem_alloc : memref<!tpu.dma_semaphore, #tpu.memory_space<semaphore_mem>>
            %dma_start3A_92 = arith.constant 0 : i32
            %dma_start3A_93 = arith.constant 0 : i32
            %dma_start3A_94 = tpu.memref_slice %arg7[%dma_start3A_92, %dma_start3A_93] : memref<128x128xf32, #tpu.memory_space<vmem>> -> memref<8x128xf32, #tpu.memory_space<vmem>>
            %dma_start3A_95 = arith.constant 0 : i32
            %dma_start3A_96 = tpu.memref_slice %arg4[%add3A_91, %dma_start3A_95] : memref<160000x128xf32, #tpu.memory_space<hbm>> -> memref<8x128xf32, #tpu.memory_space<hbm>>
            %dma_start3A_97 = arith.constant 0 : i32
            %dma_start3A_98 = tpu.memref_slice %arg4[%add3A_91, %dma_start3A_97] : memref<160000x128xf32, #tpu.memory_space<hbm>> -> memref<8x128xf32, #tpu.memory_space<hbm>>
            %dma_start3A_99 = arith.constant 0 : i32
            %dma_start3A_100 = arith.constant 0 : i32
            %dma_start3A_101 = tpu.memref_slice %arg7[%dma_start3A_99, %dma_start3A_100] : memref<128x128xf32, #tpu.memory_space<vmem>> -> memref<8x128xf32, #tpu.memory_space<vmem>>
            tpu.enqueue_dma source(%dma_start3A_101 : memref<8x128xf32, #tpu.memory_space<vmem>>) target(%dma_start3A_98 : memref<8x128xf32, #tpu.memory_space<hbm>>) target_semaphore(%run_scoped3A : memref<!tpu.dma_semaphore, #tpu.memory_space<semaphore_mem>>)
            %dma_wait3A_102 = arith.constant 0 : i32
            %dma_wait3A_103 = arith.constant 0 : i32
            %dma_wait3A_104 = tpu.memref_slice %arg7[%dma_wait3A_102, %dma_wait3A_103] : memref<128x128xf32, #tpu.memory_space<vmem>> -> memref<8x128xf32, #tpu.memory_space<vmem>>
            %dma_wait3A_105 = arith.constant 0 : i32
            %dma_wait3A_106 = tpu.memref_slice %arg4[%add3A_91, %dma_wait3A_105] : memref<160000x128xf32, #tpu.memory_space<hbm>> -> memref<8x128xf32, #tpu.memory_space<hbm>>
            %dma_wait3A_107 = arith.constant 0 : i32
            %dma_wait3A_108 = tpu.memref_slice %arg4[%add3A_91, %dma_wait3A_107] : memref<160000x128xf32, #tpu.memory_space<hbm>> -> memref<8x128xf32, #tpu.memory_space<hbm>>
            %dma_wait3A_109 = arith.constant 0 : i32
            %dma_wait3A_110 = arith.constant 0 : i32
            %dma_wait3A_111 = tpu.memref_slice %arg7[%dma_wait3A_109, %dma_wait3A_110] : memref<128x128xf32, #tpu.memory_space<vmem>> -> memref<8x128xf32, #tpu.memory_space<vmem>>
            tpu.wait_dma2 semaphore(%run_scoped3A : memref<!tpu.dma_semaphore, #tpu.memory_space<semaphore_mem>>) src(%dma_wait3A_111 : memref<8x128xf32, #tpu.memory_space<vmem>>) dst(%dma_wait3A_108 : memref<8x128xf32, #tpu.memory_space<hbm>>)
            tpu.yield
          }) : () -> ()
        } else {
        }
        %ge3A = arith.constant 40 : i32
        %ge3A_78 = arith.cmpi sge, %scan3A_17, %ge3A : i32
        %lt3A_79 = arith.constant 79 : i32
        %lt3A_80 = arith.cmpi slt, %scan3A_17, %lt3A_79 : i32
        %and3A_81 = arith.andi %ge3A_78, %lt3A_80 : i1
        %convert_element_type3A_82 = arith.extui %and3A_81 : i1 to i32
        %cond3A_83 = arith.constant 0 : i32
        %cond3A_84 = arith.cmpi ne, %convert_element_type3A_82, %cond3A_83 : i32
        scf.if %cond3A_84 {
          %sub3A = arith.constant 40 : i32
          %sub3A_90 = arith.subi %scan3A_17, %sub3A : i32
          %mul3A_91 = arith.constant 128 : i32
          %mul3A_92 = arith.muli %sub3A_90, %mul3A_91 : i32
          %add3A_93 = arith.addi %mul3A_2, %mul3A_92 : i32
          "tpu.region"() ({
            %run_scoped3A = tpu.sem_alloc : memref<!tpu.dma_semaphore, #tpu.memory_space<semaphore_mem>>
            %dma_start3A_94 = arith.constant 0 : i32
            %dma_start3A_95 = tpu.memref_slice %arg5[%add3A_93, %dma_start3A_94] : memref<160000x128xf32, #tpu.memory_space<hbm>> -> memref<128x128xf32, #tpu.memory_space<hbm>>
            %dma_start3A_96 = arith.constant 0 : i32
            %dma_start3A_97 = tpu.memref_slice %arg5[%add3A_93, %dma_start3A_96] : memref<160000x128xf32, #tpu.memory_space<hbm>> -> memref<128x128xf32, #tpu.memory_space<hbm>>
            tpu.enqueue_dma source(%arg7 : memref<128x128xf32, #tpu.memory_space<vmem>>) target(%dma_start3A_97 : memref<128x128xf32, #tpu.memory_space<hbm>>) target_semaphore(%run_scoped3A : memref<!tpu.dma_semaphore, #tpu.memory_space<semaphore_mem>>)
            %dma_wait3A_98 = arith.constant 0 : i32
            %dma_wait3A_99 = tpu.memref_slice %arg5[%add3A_93, %dma_wait3A_98] : memref<160000x128xf32, #tpu.memory_space<hbm>> -> memref<128x128xf32, #tpu.memory_space<hbm>>
            %dma_wait3A_100 = arith.constant 0 : i32
            %dma_wait3A_101 = tpu.memref_slice %arg5[%add3A_93, %dma_wait3A_100] : memref<160000x128xf32, #tpu.memory_space<hbm>> -> memref<128x128xf32, #tpu.memory_space<hbm>>
            tpu.wait_dma2 semaphore(%run_scoped3A : memref<!tpu.dma_semaphore, #tpu.memory_space<semaphore_mem>>) src(%arg7 : memref<128x128xf32, #tpu.memory_space<vmem>>) dst(%dma_wait3A_101 : memref<128x128xf32, #tpu.memory_space<hbm>>)
            tpu.yield
          }) : () -> ()
        } else {
        }
        %eq3A_85 = arith.constant 79 : i32
        %eq3A_86 = arith.cmpi eq, %scan3A_17, %eq3A_85 : i32
        %convert_element_type3A_87 = arith.extui %eq3A_86 : i1 to i32
        %cond3A_88 = arith.constant 0 : i32
        %cond3A_89 = arith.cmpi ne, %convert_element_type3A_87, %cond3A_88 : i32
        scf.if %cond3A_89 {
          %add3A_90 = arith.constant 4992 : i32
          %add3A_91 = arith.addi %mul3A_2, %add3A_90 : i32
          "tpu.region"() ({
            %run_scoped3A = tpu.sem_alloc : memref<!tpu.dma_semaphore, #tpu.memory_space<semaphore_mem>>
            %dma_start3A_92 = arith.constant 0 : i32
            %dma_start3A_93 = arith.constant 0 : i32
            %dma_start3A_94 = tpu.memref_slice %arg7[%dma_start3A_92, %dma_start3A_93] : memref<128x128xf32, #tpu.memory_space<vmem>> -> memref<8x128xf32, #tpu.memory_space<vmem>>
            %dma_start3A_95 = arith.constant 0 : i32
            %dma_start3A_96 = tpu.memref_slice %arg5[%add3A_91, %dma_start3A_95] : memref<160000x128xf32, #tpu.memory_space<hbm>> -> memref<8x128xf32, #tpu.memory_space<hbm>>
            %dma_start3A_97 = arith.constant 0 : i32
            %dma_start3A_98 = tpu.memref_slice %arg5[%add3A_91, %dma_start3A_97] : memref<160000x128xf32, #tpu.memory_space<hbm>> -> memref<8x128xf32, #tpu.memory_space<hbm>>
            %dma_start3A_99 = arith.constant 0 : i32
            %dma_start3A_100 = arith.constant 0 : i32
            %dma_start3A_101 = tpu.memref_slice %arg7[%dma_start3A_99, %dma_start3A_100] : memref<128x128xf32, #tpu.memory_space<vmem>> -> memref<8x128xf32, #tpu.memory_space<vmem>>
            tpu.enqueue_dma source(%dma_start3A_101 : memref<8x128xf32, #tpu.memory_space<vmem>>) target(%dma_start3A_98 : memref<8x128xf32, #tpu.memory_space<hbm>>) target_semaphore(%run_scoped3A : memref<!tpu.dma_semaphore, #tpu.memory_space<semaphore_mem>>)
            %dma_wait3A_102 = arith.constant 0 : i32
            %dma_wait3A_103 = arith.constant 0 : i32
            %dma_wait3A_104 = tpu.memref_slice %arg7[%dma_wait3A_102, %dma_wait3A_103] : memref<128x128xf32, #tpu.memory_space<vmem>> -> memref<8x128xf32, #tpu.memory_space<vmem>>
            %dma_wait3A_105 = arith.constant 0 : i32
            %dma_wait3A_106 = tpu.memref_slice %arg5[%add3A_91, %dma_wait3A_105] : memref<160000x128xf32, #tpu.memory_space<hbm>> -> memref<8x128xf32, #tpu.memory_space<hbm>>
            %dma_wait3A_107 = arith.constant 0 : i32
            %dma_wait3A_108 = tpu.memref_slice %arg5[%add3A_91, %dma_wait3A_107] : memref<160000x128xf32, #tpu.memory_space<hbm>> -> memref<8x128xf32, #tpu.memory_space<hbm>>
            %dma_wait3A_109 = arith.constant 0 : i32
            %dma_wait3A_110 = arith.constant 0 : i32
            %dma_wait3A_111 = tpu.memref_slice %arg7[%dma_wait3A_109, %dma_wait3A_110] : memref<128x128xf32, #tpu.memory_space<vmem>> -> memref<8x128xf32, #tpu.memory_space<vmem>>
            tpu.wait_dma2 semaphore(%run_scoped3A : memref<!tpu.dma_semaphore, #tpu.memory_space<semaphore_mem>>) src(%dma_wait3A_111 : memref<8x128xf32, #tpu.memory_space<vmem>>) dst(%dma_wait3A_108 : memref<8x128xf32, #tpu.memory_space<hbm>>)
            tpu.yield
          }) : () -> ()
        } else {
        }
      } else {
      }
      %jit3A_34 = arith.constant 2 : i32
      %eq3A_35 = arith.constant 0 : i32
      %eq3A_36 = arith.cmpi eq, %jit3A_34, %eq3A_35 : i32
      %jit3A_37 = arith.constant 1 : i32
      %select_n3A_38 = arith.select %eq3A_36, %jit3A_37, %jit3A_34 : i32
      %rem3A_39 = arith.remsi %scan3A_17, %select_n3A_38 : i32
      %ne3A_40 = arith.constant 0 : i32
      %ne3A_41 = arith.cmpi ne, %rem3A_39, %ne3A_40 : i32
      %lt3A_42 = arith.constant 0 : i32
      %lt3A_43 = arith.cmpi slt, %rem3A_39, %lt3A_42 : i32
      %lt3A_44 = arith.constant 0 : i32
      %lt3A_45 = arith.cmpi slt, %select_n3A_38, %lt3A_44 : i32
      %ne3A_46 = arith.xori %lt3A_43, %lt3A_45 : i1
      %and3A_47 = arith.andi %ne3A_46, %ne3A_41 : i1
      %add3A_48 = arith.addi %rem3A_39, %select_n3A_38 : i32
      %select_n3A_49 = arith.select %and3A_47, %add3A_48, %rem3A_39 : i32
      %eq3A_50 = arith.constant 1 : i32
      %eq3A_51 = arith.cmpi eq, %select_n3A_49, %eq3A_50 : i32
      %convert_element_type3A_52 = arith.extui %eq3A_51 : i1 to i32
      %cond3A_53 = arith.constant 0 : i32
      %cond3A_54 = arith.cmpi ne, %convert_element_type3A_52, %cond3A_53 : i32
      scf.if %cond3A_54 {
        %add3A_56 = arith.constant 1 : i32
        %add3A_57 = arith.addi %scan3A_17, %add3A_56 : i32
        %lt3A_58 = arith.constant 80 : i32
        %lt3A_59 = arith.cmpi slt, %add3A_57, %lt3A_58 : i32
        %convert_element_type3A_60 = arith.extui %lt3A_59 : i1 to i32
        %cond3A_61 = arith.constant 0 : i32
        %cond3A_62 = arith.cmpi ne, %convert_element_type3A_60, %cond3A_61 : i32
        scf.if %cond3A_62 {
          %add3A_90 = arith.constant 1 : i32
          %add3A_91 = arith.addi %scan3A_17, %add3A_90 : i32
          %dma_start3A_92 = arith.constant 0 : i32
          %dma_start3A_93 = tpu.memref_slice %arg6[%add3A_91, %dma_start3A_92] : memref<80x128xi32, #tpu.memory_space<vmem>> -> memref<1x128xi32, #tpu.memory_space<vmem>>
          %dma_start3A_94 = tpu.memref_squeeze %dma_start3A_93 : memref<1x128xi32, #tpu.memory_space<vmem>> -> memref<128xi32, #tpu.memory_space<vmem>>
          %dma_start3A_95 = arith.constant 0 : i32
          %dma_start3A_96 = arith.constant 0 : i32
          %dma_start3A_97 = tpu.memref_slice %arg9[%dma_start3A_95, %dma_start3A_96] : memref<10000x128xf32, #tpu.memory_space<vmem_shared>> -> memref<10000x128xf32, #tpu.memory_space<vmem_shared>>
          tpu.enqueue_indirect_dma source(%dma_start3A_97 : memref<10000x128xf32, #tpu.memory_space<vmem_shared>>) target(%arg7 : memref<128x128xf32, #tpu.memory_space<vmem>>) offsets(%dma_start3A_94 : memref<128xi32, #tpu.memory_space<vmem>>) semaphore(%arg10 : memref<!tpu.dma_semaphore, #tpu.memory_space<semaphore_mem>>)
        } else {
        }
        %dma_wait3A = arith.constant 0 : i32
        %dma_wait3A_63 = arith.constant 0 : i32
        %dma_wait3A_64 = tpu.memref_slice %arg3[%dma_wait3A, %dma_wait3A_63] : memref<10000x128xf32, #tpu.memory_space<hbm>> -> memref<128x128xf32, #tpu.memory_space<hbm>>
        %dma_wait3A_65 = arith.constant 0 : i32
        %dma_wait3A_66 = arith.constant 0 : i32
        %dma_wait3A_67 = tpu.memref_slice %arg3[%dma_wait3A_65, %dma_wait3A_66] : memref<10000x128xf32, #tpu.memory_space<hbm>> -> memref<128x128xf32, #tpu.memory_space<hbm>>
        tpu.wait_dma2 semaphore(%arg11 : memref<!tpu.dma_semaphore, #tpu.memory_space<semaphore_mem>>) src(%dma_wait3A_67 : memref<128x128xf32, #tpu.memory_space<hbm>>) dst(%arg8 : memref<128x128xf32, #tpu.memory_space<vmem>>)
        %lt3A_68 = arith.constant 39 : i32
        %lt3A_69 = arith.cmpi slt, %scan3A_17, %lt3A_68 : i32
        %convert_element_type3A_70 = arith.extui %lt3A_69 : i1 to i32
        %cond3A_71 = arith.constant 0 : i32
        %cond3A_72 = arith.cmpi ne, %convert_element_type3A_70, %cond3A_71 : i32
        scf.if %cond3A_72 {
          %mul3A_90 = arith.constant 128 : i32
          %mul3A_91 = arith.muli %scan3A_17, %mul3A_90 : i32
          %add3A_92 = arith.addi %mul3A_2, %mul3A_91 : i32
          "tpu.region"() ({
            %run_scoped3A = tpu.sem_alloc : memref<!tpu.dma_semaphore, #tpu.memory_space<semaphore_mem>>
            %dma_start3A_93 = arith.constant 0 : i32
            %dma_start3A_94 = tpu.memref_slice %arg4[%add3A_92, %dma_start3A_93] : memref<160000x128xf32, #tpu.memory_space<hbm>> -> memref<128x128xf32, #tpu.memory_space<hbm>>
            %dma_start3A_95 = arith.constant 0 : i32
            %dma_start3A_96 = tpu.memref_slice %arg4[%add3A_92, %dma_start3A_95] : memref<160000x128xf32, #tpu.memory_space<hbm>> -> memref<128x128xf32, #tpu.memory_space<hbm>>
            tpu.enqueue_dma source(%arg8 : memref<128x128xf32, #tpu.memory_space<vmem>>) target(%dma_start3A_96 : memref<128x128xf32, #tpu.memory_space<hbm>>) target_semaphore(%run_scoped3A : memref<!tpu.dma_semaphore, #tpu.memory_space<semaphore_mem>>)
            %dma_wait3A_97 = arith.constant 0 : i32
            %dma_wait3A_98 = tpu.memref_slice %arg4[%add3A_92, %dma_wait3A_97] : memref<160000x128xf32, #tpu.memory_space<hbm>> -> memref<128x128xf32, #tpu.memory_space<hbm>>
            %dma_wait3A_99 = arith.constant 0 : i32
            %dma_wait3A_100 = tpu.memref_slice %arg4[%add3A_92, %dma_wait3A_99] : memref<160000x128xf32, #tpu.memory_space<hbm>> -> memref<128x128xf32, #tpu.memory_space<hbm>>
            tpu.wait_dma2 semaphore(%run_scoped3A : memref<!tpu.dma_semaphore, #tpu.memory_space<semaphore_mem>>) src(%arg8 : memref<128x128xf32, #tpu.memory_space<vmem>>) dst(%dma_wait3A_100 : memref<128x128xf32, #tpu.memory_space<hbm>>)
            tpu.yield
          }) : () -> ()
        } else {
        }
        %eq3A_73 = arith.constant 39 : i32
        %eq3A_74 = arith.cmpi eq, %scan3A_17, %eq3A_73 : i32
        %convert_element_type3A_75 = arith.extui %eq3A_74 : i1 to i32
        %cond3A_76 = arith.constant 0 : i32
        %cond3A_77 = arith.cmpi ne, %convert_element_type3A_75, %cond3A_76 : i32
        scf.if %cond3A_77 {
          %add3A_90 = arith.constant 4992 : i32
          %add3A_91 = arith.addi %mul3A_2, %add3A_90 : i32
          "tpu.region"() ({
            %run_scoped3A = tpu.sem_alloc : memref<!tpu.dma_semaphore, #tpu.memory_space<semaphore_mem>>
            %dma_start3A_92 = arith.constant 0 : i32
            %dma_start3A_93 = arith.constant 0 : i32
            %dma_start3A_94 = tpu.memref_slice %arg8[%dma_start3A_92, %dma_start3A_93] : memref<128x128xf32, #tpu.memory_space<vmem>> -> memref<8x128xf32, #tpu.memory_space<vmem>>
            %dma_start3A_95 = arith.constant 0 : i32
            %dma_start3A_96 = tpu.memref_slice %arg4[%add3A_91, %dma_start3A_95] : memref<160000x128xf32, #tpu.memory_space<hbm>> -> memref<8x128xf32, #tpu.memory_space<hbm>>
            %dma_start3A_97 = arith.constant 0 : i32
            %dma_start3A_98 = tpu.memref_slice %arg4[%add3A_91, %dma_start3A_97] : memref<160000x128xf32, #tpu.memory_space<hbm>> -> memref<8x128xf32, #tpu.memory_space<hbm>>
            %dma_start3A_99 = arith.constant 0 : i32
            %dma_start3A_100 = arith.constant 0 : i32
            %dma_start3A_101 = tpu.memref_slice %arg8[%dma_start3A_99, %dma_start3A_100] : memref<128x128xf32, #tpu.memory_space<vmem>> -> memref<8x128xf32, #tpu.memory_space<vmem>>
            tpu.enqueue_dma source(%dma_start3A_101 : memref<8x128xf32, #tpu.memory_space<vmem>>) target(%dma_start3A_98 : memref<8x128xf32, #tpu.memory_space<hbm>>) target_semaphore(%run_scoped3A : memref<!tpu.dma_semaphore, #tpu.memory_space<semaphore_mem>>)
            %dma_wait3A_102 = arith.constant 0 : i32
            %dma_wait3A_103 = arith.constant 0 : i32
            %dma_wait3A_104 = tpu.memref_slice %arg8[%dma_wait3A_102, %dma_wait3A_103] : memref<128x128xf32, #tpu.memory_space<vmem>> -> memref<8x128xf32, #tpu.memory_space<vmem>>
            %dma_wait3A_105 = arith.constant 0 : i32
            %dma_wait3A_106 = tpu.memref_slice %arg4[%add3A_91, %dma_wait3A_105] : memref<160000x128xf32, #tpu.memory_space<hbm>> -> memref<8x128xf32, #tpu.memory_space<hbm>>
            %dma_wait3A_107 = arith.constant 0 : i32
            %dma_wait3A_108 = tpu.memref_slice %arg4[%add3A_91, %dma_wait3A_107] : memref<160000x128xf32, #tpu.memory_space<hbm>> -> memref<8x128xf32, #tpu.memory_space<hbm>>
            %dma_wait3A_109 = arith.constant 0 : i32
            %dma_wait3A_110 = arith.constant 0 : i32
            %dma_wait3A_111 = tpu.memref_slice %arg8[%dma_wait3A_109, %dma_wait3A_110] : memref<128x128xf32, #tpu.memory_space<vmem>> -> memref<8x128xf32, #tpu.memory_space<vmem>>
            tpu.wait_dma2 semaphore(%run_scoped3A : memref<!tpu.dma_semaphore, #tpu.memory_space<semaphore_mem>>) src(%dma_wait3A_111 : memref<8x128xf32, #tpu.memory_space<vmem>>) dst(%dma_wait3A_108 : memref<8x128xf32, #tpu.memory_space<hbm>>)
            tpu.yield
          }) : () -> ()
        } else {
        }
        %ge3A = arith.constant 40 : i32
        %ge3A_78 = arith.cmpi sge, %scan3A_17, %ge3A : i32
        %lt3A_79 = arith.constant 79 : i32
        %lt3A_80 = arith.cmpi slt, %scan3A_17, %lt3A_79 : i32
        %and3A_81 = arith.andi %ge3A_78, %lt3A_80 : i1
        %convert_element_type3A_82 = arith.extui %and3A_81 : i1 to i32
        %cond3A_83 = arith.constant 0 : i32
        %cond3A_84 = arith.cmpi ne, %convert_element_type3A_82, %cond3A_83 : i32
        scf.if %cond3A_84 {
          %sub3A = arith.constant 40 : i32
          %sub3A_90 = arith.subi %scan3A_17, %sub3A : i32
          %mul3A_91 = arith.constant 128 : i32
          %mul3A_92 = arith.muli %sub3A_90, %mul3A_91 : i32
          %add3A_93 = arith.addi %mul3A_2, %mul3A_92 : i32
          "tpu.region"() ({
            %run_scoped3A = tpu.sem_alloc : memref<!tpu.dma_semaphore, #tpu.memory_space<semaphore_mem>>
            %dma_start3A_94 = arith.constant 0 : i32
            %dma_start3A_95 = tpu.memref_slice %arg5[%add3A_93, %dma_start3A_94] : memref<160000x128xf32, #tpu.memory_space<hbm>> -> memref<128x128xf32, #tpu.memory_space<hbm>>
            %dma_start3A_96 = arith.constant 0 : i32
            %dma_start3A_97 = tpu.memref_slice %arg5[%add3A_93, %dma_start3A_96] : memref<160000x128xf32, #tpu.memory_space<hbm>> -> memref<128x128xf32, #tpu.memory_space<hbm>>
            tpu.enqueue_dma source(%arg8 : memref<128x128xf32, #tpu.memory_space<vmem>>) target(%dma_start3A_97 : memref<128x128xf32, #tpu.memory_space<hbm>>) target_semaphore(%run_scoped3A : memref<!tpu.dma_semaphore, #tpu.memory_space<semaphore_mem>>)
            %dma_wait3A_98 = arith.constant 0 : i32
            %dma_wait3A_99 = tpu.memref_slice %arg5[%add3A_93, %dma_wait3A_98] : memref<160000x128xf32, #tpu.memory_space<hbm>> -> memref<128x128xf32, #tpu.memory_space<hbm>>
            %dma_wait3A_100 = arith.constant 0 : i32
            %dma_wait3A_101 = tpu.memref_slice %arg5[%add3A_93, %dma_wait3A_100] : memref<160000x128xf32, #tpu.memory_space<hbm>> -> memref<128x128xf32, #tpu.memory_space<hbm>>
            tpu.wait_dma2 semaphore(%run_scoped3A : memref<!tpu.dma_semaphore, #tpu.memory_space<semaphore_mem>>) src(%arg8 : memref<128x128xf32, #tpu.memory_space<vmem>>) dst(%dma_wait3A_101 : memref<128x128xf32, #tpu.memory_space<hbm>>)
            tpu.yield
          }) : () -> ()
        } else {
        }
        %eq3A_85 = arith.constant 79 : i32
        %eq3A_86 = arith.cmpi eq, %scan3A_17, %eq3A_85 : i32
        %convert_element_type3A_87 = arith.extui %eq3A_86 : i1 to i32
        %cond3A_88 = arith.constant 0 : i32
        %cond3A_89 = arith.cmpi ne, %convert_element_type3A_87, %cond3A_88 : i32
        scf.if %cond3A_89 {
          %add3A_90 = arith.constant 4992 : i32
          %add3A_91 = arith.addi %mul3A_2, %add3A_90 : i32
          "tpu.region"() ({
            %run_scoped3A = tpu.sem_alloc : memref<!tpu.dma_semaphore, #tpu.memory_space<semaphore_mem>>
            %dma_start3A_92 = arith.constant 0 : i32
            %dma_start3A_93 = arith.constant 0 : i32
            %dma_start3A_94 = tpu.memref_slice %arg8[%dma_start3A_92, %dma_start3A_93] : memref<128x128xf32, #tpu.memory_space<vmem>> -> memref<8x128xf32, #tpu.memory_space<vmem>>
            %dma_start3A_95 = arith.constant 0 : i32
            %dma_start3A_96 = tpu.memref_slice %arg5[%add3A_91, %dma_start3A_95] : memref<160000x128xf32, #tpu.memory_space<hbm>> -> memref<8x128xf32, #tpu.memory_space<hbm>>
            %dma_start3A_97 = arith.constant 0 : i32
            %dma_start3A_98 = tpu.memref_slice %arg5[%add3A_91, %dma_start3A_97] : memref<160000x128xf32, #tpu.memory_space<hbm>> -> memref<8x128xf32, #tpu.memory_space<hbm>>
            %dma_start3A_99 = arith.constant 0 : i32
            %dma_start3A_100 = arith.constant 0 : i32
            %dma_start3A_101 = tpu.memref_slice %arg8[%dma_start3A_99, %dma_start3A_100] : memref<128x128xf32, #tpu.memory_space<vmem>> -> memref<8x128xf32, #tpu.memory_space<vmem>>
            tpu.enqueue_dma source(%dma_start3A_101 : memref<8x128xf32, #tpu.memory_space<vmem>>) target(%dma_start3A_98 : memref<8x128xf32, #tpu.memory_space<hbm>>) target_semaphore(%run_scoped3A : memref<!tpu.dma_semaphore, #tpu.memory_space<semaphore_mem>>)
            %dma_wait3A_102 = arith.constant 0 : i32
            %dma_wait3A_103 = arith.constant 0 : i32
            %dma_wait3A_104 = tpu.memref_slice %arg8[%dma_wait3A_102, %dma_wait3A_103] : memref<128x128xf32, #tpu.memory_space<vmem>> -> memref<8x128xf32, #tpu.memory_space<vmem>>
            %dma_wait3A_105 = arith.constant 0 : i32
            %dma_wait3A_106 = tpu.memref_slice %arg5[%add3A_91, %dma_wait3A_105] : memref<160000x128xf32, #tpu.memory_space<hbm>> -> memref<8x128xf32, #tpu.memory_space<hbm>>
            %dma_wait3A_107 = arith.constant 0 : i32
            %dma_wait3A_108 = tpu.memref_slice %arg5[%add3A_91, %dma_wait3A_107] : memref<160000x128xf32, #tpu.memory_space<hbm>> -> memref<8x128xf32, #tpu.memory_space<hbm>>
            %dma_wait3A_109 = arith.constant 0 : i32
            %dma_wait3A_110 = arith.constant 0 : i32
            %dma_wait3A_111 = tpu.memref_slice %arg8[%dma_wait3A_109, %dma_wait3A_110] : memref<128x128xf32, #tpu.memory_space<vmem>> -> memref<8x128xf32, #tpu.memory_space<vmem>>
            tpu.wait_dma2 semaphore(%run_scoped3A : memref<!tpu.dma_semaphore, #tpu.memory_space<semaphore_mem>>) src(%dma_wait3A_111 : memref<8x128xf32, #tpu.memory_space<vmem>>) dst(%dma_wait3A_108 : memref<8x128xf32, #tpu.memory_space<hbm>>)
            tpu.yield
          }) : () -> ()
        } else {
        }
      } else {
      }
      %scan3A_55 = arith.constant 0 : i32
      scf.yield %scan3A_55 : i32
    }
    %scan3A_16 = arith.constant 80 : i32
    return
  }
}

#map = affine_map<(d0, d1) -> (0, 0)>
#map1 = affine_map<(d0, d1) -> (0)>
module attributes {stable_mosaic.version = 14 : i64} {
  func.func @_scatter_body(%arg0: i32, %arg1: i32, %arg2: memref<32x128xi32, #tpu.memory_space<hbm>>, %arg3: memref<32x128xf32, #tpu.memory_space<hbm>>, %arg4: memref<160000xi32, #tpu.memory_space<hbm>>, %arg5: memref<10000xf32, #tpu.memory_space<hbm>>, %arg6: memref<32x128xi32, #tpu.memory_space<vmem>>, %arg7: memref<32x128xf32, #tpu.memory_space<vmem>>, %arg8: memref<128xi32, #tpu.memory_space<vmem>>, %arg9: memref<10240xf32, #tpu.memory_space<vmem>>, %arg10: memref<10240xf32, #tpu.memory_space<vmem_shared>>, %arg11: memref<!tpu.dma_semaphore, #tpu.memory_space<semaphore_mem>>) attributes {dimension_semantics = [#tpu.dimension_semantics<core_parallel>, #tpu.dimension_semantics<subcore_parallel>], iteration_bounds = array<i64: 2, 16>, scalar_prefetch = 0 : i64, scratch_operands = 6 : i64, tpu.core_type = #tpu.core_type<sc_vector_subcore>, window_params = [{transform_indices = #map}, {transform_indices = #map}, {transform_indices = #map1}, {transform_indices = #map1}]} {
    %mul3A = arith.constant 2 : i32
    %mul3A_0 = arith.muli %arg1, %mul3A : i32
    %add3A = arith.addi %mul3A_0, %arg0 : i32
    %eq3A = arith.constant 0 : i32
    %eq3A_1 = arith.cmpi eq, %add3A, %eq3A : i32
    %convert_element_type3A = arith.extui %eq3A_1 : i1 to i32
    %cond3A = arith.constant 0 : i32
    %cond3A_2 = arith.cmpi ne, %convert_element_type3A, %cond3A : i32
    scf.if %cond3A_2 {
      "tpu.region"() ({
        %run_scoped3A = tpu.sem_alloc : memref<!tpu.dma_semaphore, #tpu.memory_space<semaphore_mem>>
        tpu.enqueue_dma source(%arg2 : memref<32x128xi32, #tpu.memory_space<hbm>>) target(%arg6 : memref<32x128xi32, #tpu.memory_space<vmem>>) target_semaphore(%run_scoped3A : memref<!tpu.dma_semaphore, #tpu.memory_space<semaphore_mem>>)
        tpu.wait_dma2 semaphore(%run_scoped3A : memref<!tpu.dma_semaphore, #tpu.memory_space<semaphore_mem>>) src(%arg2 : memref<32x128xi32, #tpu.memory_space<hbm>>) dst(%arg6 : memref<32x128xi32, #tpu.memory_space<vmem>>)
        tpu.yield
      }) : () -> ()
      "tpu.region"() ({
        %run_scoped3A = tpu.sem_alloc : memref<!tpu.dma_semaphore, #tpu.memory_space<semaphore_mem>>
        tpu.enqueue_dma source(%arg3 : memref<32x128xf32, #tpu.memory_space<hbm>>) target(%arg7 : memref<32x128xf32, #tpu.memory_space<vmem>>) target_semaphore(%run_scoped3A : memref<!tpu.dma_semaphore, #tpu.memory_space<semaphore_mem>>)
        tpu.wait_dma2 semaphore(%run_scoped3A : memref<!tpu.dma_semaphore, #tpu.memory_space<semaphore_mem>>) src(%arg3 : memref<32x128xf32, #tpu.memory_space<hbm>>) dst(%arg7 : memref<32x128xf32, #tpu.memory_space<vmem>>)
        tpu.yield
      }) : () -> ()
      %broadcast_in_dim3A = arith.constant 0.000000e+00 : f32
      %broadcast_in_dim3A_3 = vector.broadcast %broadcast_in_dim3A : f32 to vector<16xf32>
      %scan3A = arith.constant 0 : i32
      %scan3A_4 = arith.constant 0 : i32
      %scan3A_5 = arith.constant 640 : i32
      %scan3A_6 = arith.addi %scan3A_4, %scan3A_5 : i32
      %scan3A_7 = arith.constant 1 : i32
      %scan3A_8 = scf.for %scan3A_17 = %scan3A_4 to %scan3A_6 step %scan3A_7 iter_args(%scan3A_18 = %scan3A) -> (i32)  : i32 {
        %mul3A_19 = arith.constant 16 : i32
        %mul3A_20 = arith.muli %scan3A_17, %mul3A_19 : i32
        %swap3A = arith.index_cast %mul3A_20 : i32 to index
        %swap3A_21 = tpu.vector_load %arg9[%swap3A] {strides = array<i32>} : memref<10240xf32, #tpu.memory_space<vmem>>, vector<16xf32>,
        tpu.vector_store %arg9[%swap3A], %broadcast_in_dim3A_3 {strides = array<i32>} : memref<10240xf32, #tpu.memory_space<vmem>>, vector<16xf32>,
        %scan3A_22 = arith.constant 0 : i32
        scf.yield %scan3A_22 : i32
      }
      %scan3A_9 = arith.constant 640 : i32
      "tpu.region"() ({
        %run_scoped3A = tpu.sem_alloc : memref<!tpu.dma_semaphore, #tpu.memory_space<semaphore_mem>>
        tpu.enqueue_dma source(%arg9 : memref<10240xf32, #tpu.memory_space<vmem>>) target(%arg10 : memref<10240xf32, #tpu.memory_space<vmem_shared>>) target_semaphore(%run_scoped3A : memref<!tpu.dma_semaphore, #tpu.memory_space<semaphore_mem>>)
        tpu.wait_dma2 semaphore(%run_scoped3A : memref<!tpu.dma_semaphore, #tpu.memory_space<semaphore_mem>>) src(%arg9 : memref<10240xf32, #tpu.memory_space<vmem>>) dst(%arg10 : memref<10240xf32, #tpu.memory_space<vmem_shared>>)
        tpu.yield
      }) : () -> ()
      %scan3A_10 = arith.constant 0 : i32
      %scan3A_11 = arith.constant 0 : i32
      %scan3A_12 = arith.constant 32 : i32
      %scan3A_13 = arith.addi %scan3A_11, %scan3A_12 : i32
      %scan3A_14 = arith.constant 1 : i32
      %scan3A_15 = scf.for %scan3A_17 = %scan3A_11 to %scan3A_13 step %scan3A_14 iter_args(%scan3A_18 = %scan3A_10) -> (i32)  : i32 {
        %dma_start3A = arith.constant 0 : i32
        %dma_start3A_19 = tpu.memref_slice %arg6[%scan3A_17, %dma_start3A] : memref<32x128xi32, #tpu.memory_space<vmem>> -> memref<1x128xi32, #tpu.memory_space<vmem>>
        %dma_start3A_20 = tpu.memref_squeeze %dma_start3A_19 : memref<1x128xi32, #tpu.memory_space<vmem>> -> memref<128xi32, #tpu.memory_space<vmem>>
        %dma_start3A_21 = arith.constant 0 : i32
        %dma_start3A_22 = tpu.memref_slice %arg4[%dma_start3A_21] : memref<160000xi32, #tpu.memory_space<hbm>> -> memref<160000xi32, #tpu.memory_space<hbm>>
        tpu.enqueue_indirect_dma source(%dma_start3A_22 : memref<160000xi32, #tpu.memory_space<hbm>>) target(%arg8 : memref<128xi32, #tpu.memory_space<vmem>>) offsets(%dma_start3A_20 : memref<128xi32, #tpu.memory_space<vmem>>) semaphore(%arg11 : memref<!tpu.dma_semaphore, #tpu.memory_space<semaphore_mem>>)
        %dma_wait3A = arith.constant 0 : i32
        %dma_wait3A_23 = tpu.memref_slice %arg6[%scan3A_17, %dma_wait3A] : memref<32x128xi32, #tpu.memory_space<vmem>> -> memref<1x128xi32, #tpu.memory_space<vmem>>
        %dma_wait3A_24 = tpu.memref_squeeze %dma_wait3A_23 : memref<1x128xi32, #tpu.memory_space<vmem>> -> memref<128xi32, #tpu.memory_space<vmem>>
        %dma_wait3A_25 = arith.constant 0 : i32
        %dma_wait3A_26 = tpu.memref_slice %arg4[%dma_wait3A_25] : memref<160000xi32, #tpu.memory_space<hbm>> -> memref<160000xi32, #tpu.memory_space<hbm>>
        tpu.wait_indirect_dma semaphore(%arg11 : memref<!tpu.dma_semaphore, #tpu.memory_space<semaphore_mem>>) src(%dma_wait3A_26 : memref<160000xi32, #tpu.memory_space<hbm>>) dst(%arg8 : memref<128xi32, #tpu.memory_space<vmem>>)
        "tpu.region"() ({
          %run_scoped3A = tpu.sem_alloc : memref<!tpu.dma_semaphore, #tpu.memory_space<semaphore_mem>>
          %dma_start3A_28 = arith.constant 0 : i32
          %dma_start3A_29 = tpu.memref_slice %arg7[%scan3A_17, %dma_start3A_28] : memref<32x128xf32, #tpu.memory_space<vmem>> -> memref<1x128xf32, #tpu.memory_space<vmem>>
          %dma_start3A_30 = tpu.memref_squeeze %dma_start3A_29 : memref<1x128xf32, #tpu.memory_space<vmem>> -> memref<128xf32, #tpu.memory_space<vmem>>
          %dma_start3A_31 = arith.constant 0 : i32
          %dma_start3A_32 = tpu.memref_slice %arg10[%dma_start3A_31] : memref<10240xf32, #tpu.memory_space<vmem_shared>> -> memref<10240xf32, #tpu.memory_space<vmem_shared>>
          tpu.enqueue_indirect_dma source(%dma_start3A_30 : memref<128xf32, #tpu.memory_space<vmem>>) target(%dma_start3A_32 : memref<10240xf32, #tpu.memory_space<vmem_shared>>) offsets(%arg8 : memref<128xi32, #tpu.memory_space<vmem>>) semaphore(%run_scoped3A : memref<!tpu.dma_semaphore, #tpu.memory_space<semaphore_mem>>) {add = true}
          %dma_wait3A_33 = arith.constant 0 : i32
          %dma_wait3A_34 = tpu.memref_slice %arg7[%scan3A_17, %dma_wait3A_33] : memref<32x128xf32, #tpu.memory_space<vmem>> -> memref<1x128xf32, #tpu.memory_space<vmem>>
          %dma_wait3A_35 = tpu.memref_squeeze %dma_wait3A_34 : memref<1x128xf32, #tpu.memory_space<vmem>> -> memref<128xf32, #tpu.memory_space<vmem>>
          %dma_wait3A_36 = arith.constant 0 : i32
          %dma_wait3A_37 = tpu.memref_slice %arg10[%dma_wait3A_36] : memref<10240xf32, #tpu.memory_space<vmem_shared>> -> memref<10240xf32, #tpu.memory_space<vmem_shared>>
          tpu.wait_indirect_dma semaphore(%run_scoped3A : memref<!tpu.dma_semaphore, #tpu.memory_space<semaphore_mem>>) src(%dma_wait3A_35 : memref<128xf32, #tpu.memory_space<vmem>>) dst(%dma_wait3A_37 : memref<10240xf32, #tpu.memory_space<vmem_shared>>)
          tpu.yield
        }) : () -> ()
        %scan3A_27 = arith.constant 0 : i32
        scf.yield %scan3A_27 : i32
      }
      %scan3A_16 = arith.constant 32 : i32
      "tpu.region"() ({
        %run_scoped3A = tpu.sem_alloc : memref<!tpu.dma_semaphore, #tpu.memory_space<semaphore_mem>>
        tpu.enqueue_dma source(%arg10 : memref<10240xf32, #tpu.memory_space<vmem_shared>>) target(%arg9 : memref<10240xf32, #tpu.memory_space<vmem>>) target_semaphore(%run_scoped3A : memref<!tpu.dma_semaphore, #tpu.memory_space<semaphore_mem>>)
        tpu.wait_dma2 semaphore(%run_scoped3A : memref<!tpu.dma_semaphore, #tpu.memory_space<semaphore_mem>>) src(%arg10 : memref<10240xf32, #tpu.memory_space<vmem_shared>>) dst(%arg9 : memref<10240xf32, #tpu.memory_space<vmem>>)
        tpu.yield
      }) : () -> ()
      "tpu.region"() ({
        %run_scoped3A = tpu.sem_alloc : memref<!tpu.dma_semaphore, #tpu.memory_space<semaphore_mem>>
        %dma_start3A = arith.constant 0 : i32
        %dma_start3A_17 = tpu.memref_slice %arg9[%dma_start3A] : memref<10240xf32, #tpu.memory_space<vmem>> -> memref<10000xf32, #tpu.memory_space<vmem>>
        %dma_start3A_18 = arith.constant 0 : i32
        %dma_start3A_19 = tpu.memref_slice %arg9[%dma_start3A_18] : memref<10240xf32, #tpu.memory_space<vmem>> -> memref<10000xf32, #tpu.memory_space<vmem>>
        tpu.enqueue_dma source(%dma_start3A_19 : memref<10000xf32, #tpu.memory_space<vmem>>) target(%arg5 : memref<10000xf32, #tpu.memory_space<hbm>>) target_semaphore(%run_scoped3A : memref<!tpu.dma_semaphore, #tpu.memory_space<semaphore_mem>>)
        %dma_wait3A = arith.constant 0 : i32
        %dma_wait3A_20 = tpu.memref_slice %arg9[%dma_wait3A] : memref<10240xf32, #tpu.memory_space<vmem>> -> memref<10000xf32, #tpu.memory_space<vmem>>
        %dma_wait3A_21 = arith.constant 0 : i32
        %dma_wait3A_22 = tpu.memref_slice %arg9[%dma_wait3A_21] : memref<10240xf32, #tpu.memory_space<vmem>> -> memref<10000xf32, #tpu.memory_space<vmem>>
        tpu.wait_dma2 semaphore(%run_scoped3A : memref<!tpu.dma_semaphore, #tpu.memory_space<semaphore_mem>>) src(%dma_wait3A_22 : memref<10000xf32, #tpu.memory_space<vmem>>) dst(%arg5 : memref<10000xf32, #tpu.memory_space<hbm>>)
        tpu.yield
      }) : () -> ()
    } else {
    }
    return
  }
}

module attributes {stable_mosaic.version = 14 : i64} {
  func.func @_dense_body(%arg0: i32, %arg1: memref<1x2500x128xf32, #tpu.memory_space<vmem>>, %arg2: memref<1x2500x128xf32, #tpu.memory_space<vmem>>, %arg3: memref<1x2500x128xf32, #tpu.memory_space<vmem>>, %arg4: memref<1x1x128xf32, #tpu.memory_space<vmem>>, %arg5: memref<1x1x128xf32, #tpu.memory_space<vmem>>, %arg6: memref<256x512xf32, #tpu.memory_space<vmem>>, %arg7: memref<256x512xf32, #tpu.memory_space<vmem>>, %arg8: memref<256x256xf32, #tpu.memory_space<vmem>>, %arg9: memref<1x256xf32, #tpu.memory_space<vmem>>, %arg10: memref<1x256xf32, #tpu.memory_space<vmem>>, %arg11: memref<1x256xf32, #tpu.memory_space<vmem>>, %arg12: memref<1x1x2500xf32, #tpu.memory_space<vmem>>) attributes {dimension_semantics = [#tpu.dimension_semantics<arbitrary>], iteration_bounds = array<i64: 64>, scalar_prefetch = 0 : i64, scratch_operands = 0 : i64, tpu.core_type = #tpu.core_type<tc>, window_params = [{transform_indices = @transform_0, window_bounds = array<i64: 1, 2500, 128>}, {transform_indices = @transform_1, window_bounds = array<i64: 1, 2500, 128>}, {transform_indices = @transform_2, window_bounds = array<i64: 1, 2500, 128>}, {transform_indices = @transform_3, window_bounds = array<i64: 1, 1, 128>}, {transform_indices = @transform_4, window_bounds = array<i64: 1, 1, 128>}, {pipeline_mode = #tpu.pipeline_mode<synchronous>, transform_indices = @transform_5, window_bounds = array<i64: 256, 512>}, {pipeline_mode = #tpu.pipeline_mode<synchronous>, transform_indices = @transform_6, window_bounds = array<i64: 256, 512>}, {pipeline_mode = #tpu.pipeline_mode<synchronous>, transform_indices = @transform_7, window_bounds = array<i64: 256, 256>}, {pipeline_mode = #tpu.pipeline_mode<synchronous>, transform_indices = @transform_8, window_bounds = array<i64: 1, 256>}, {pipeline_mode = #tpu.pipeline_mode<synchronous>, transform_indices = @transform_9, window_bounds = array<i64: 1, 256>}, {pipeline_mode = #tpu.pipeline_mode<synchronous>, transform_indices = @transform_10, window_bounds = array<i64: 1, 256>}, {transform_indices = @transform_11, window_bounds = array<i64: 1, 1, 2500>}]} {
    %get3A = arith.constant 0 : index
    %get3A_0 = arith.constant 0 : index
    %get3A_1 = arith.constant 0 : index
    %get3A_2 = vector.load %arg1[%get3A, %get3A_0, %get3A_1] : memref<1x2500x128xf32, #tpu.memory_space<vmem>>, vector<1x2500x128xf32>
    %get3A_3 = vector.shape_cast %get3A_2 : vector<1x2500x128xf32> to vector<2500x128xf32>
    %get3A_4 = arith.constant 0 : index
    %get3A_5 = arith.constant 0 : index
    %get3A_6 = arith.constant 0 : index
    %get3A_7 = vector.load %arg2[%get3A_4, %get3A_5, %get3A_6] : memref<1x2500x128xf32, #tpu.memory_space<vmem>>, vector<1x2500x128xf32>
    %get3A_8 = vector.shape_cast %get3A_7 : vector<1x2500x128xf32> to vector<2500x128xf32>
    %get3A_9 = arith.constant 0 : index
    %get3A_10 = arith.constant 0 : index
    %get3A_11 = arith.constant 0 : index
    %get3A_12 = vector.load %arg3[%get3A_9, %get3A_10, %get3A_11] : memref<1x2500x128xf32, #tpu.memory_space<vmem>>, vector<1x2500x128xf32>
    %get3A_13 = vector.shape_cast %get3A_12 : vector<1x2500x128xf32> to vector<2500x128xf32>
    %get3A_14 = arith.constant 0 : index
    %get3A_15 = arith.constant 0 : index
    %get3A_16 = arith.constant 0 : index
    %get3A_17 = vector.load %arg4[%get3A_14, %get3A_15, %get3A_16] : memref<1x1x128xf32, #tpu.memory_space<vmem>>, vector<1x1x128xf32>
    %get3A_18 = vector.shape_cast %get3A_17 : vector<1x1x128xf32> to vector<1x128xf32>
    %get3A_19 = arith.constant 0 : index
    %get3A_20 = arith.constant 0 : index
    %get3A_21 = arith.constant 0 : index
    %get3A_22 = vector.load %arg5[%get3A_19, %get3A_20, %get3A_21] : memref<1x1x128xf32, #tpu.memory_space<vmem>>, vector<1x1x128xf32>
    %get3A_23 = vector.shape_cast %get3A_22 : vector<1x1x128xf32> to vector<1x128xf32>
    %concatenate3A = tpu.concatenate %get3A_18, %get3A_23 in 1 : vector<1x128xf32>, vector<1x128xf32> -> vector<1x256xf32>
    %get3A_24 = arith.constant 0 : index
    %get3A_25 = arith.constant 256 : index
    %get3A_26 = vector.load %arg6[%get3A_24, %get3A_25] : memref<256x512xf32, #tpu.memory_space<vmem>>, vector<256x256xf32>
    %dot_general3A = arith.constant dense<0.000000e+00> : vector<1x256xf32>
    %dot_general3A_27 = tpu.matmul %concatenate3A, %get3A_26, %dot_general3A {dimension_numbers = #tpu.dot_dimension_numbers<[1], [1], [0], [0], [0, 0, 1, 0], [], []>, transpose_lhs_hint = false} : vector<1x256xf32>, vector<256x256xf32>, vector<1x256xf32> -> vector<1x256xf32>
    %get3A_28 = arith.constant 0 : index
    %get3A_29 = arith.constant 0 : index
    %get3A_30 = vector.load %arg9[%get3A_28, %get3A_29] : memref<1x256xf32, #tpu.memory_space<vmem>>, vector<1x256xf32>
    %add3A = arith.addf %dot_general3A_27, %get3A_30 : vector<1x256xf32>
    %get3A_31 = arith.constant 0 : index
    %get3A_32 = arith.constant 256 : index
    %get3A_33 = vector.load %arg7[%get3A_31, %get3A_32] : memref<256x512xf32, #tpu.memory_space<vmem>>, vector<256x256xf32>
    %dot_general3A_34 = arith.constant dense<0.000000e+00> : vector<1x256xf32>
    %dot_general3A_35 = tpu.matmul %concatenate3A, %get3A_33, %dot_general3A_34 {dimension_numbers = #tpu.dot_dimension_numbers<[1], [1], [0], [0], [0, 0, 1, 0], [], []>, transpose_lhs_hint = false} : vector<1x256xf32>, vector<256x256xf32>, vector<1x256xf32> -> vector<1x256xf32>
    %get3A_36 = arith.constant 0 : index
    %get3A_37 = arith.constant 0 : index
    %get3A_38 = vector.load %arg10[%get3A_36, %get3A_37] : memref<1x256xf32, #tpu.memory_space<vmem>>, vector<1x256xf32>
    %add3A_39 = arith.addf %dot_general3A_35, %get3A_38 : vector<1x256xf32>
    %concatenate3A_40 = tpu.concatenate %get3A_3, %get3A_13 in 1 : vector<2500x128xf32>, vector<2500x128xf32> -> vector<2500x256xf32>
    %concatenate3A_41 = tpu.concatenate %get3A_8, %get3A_13 in 1 : vector<2500x128xf32>, vector<2500x128xf32> -> vector<2500x256xf32>
    %get3A_42 = arith.constant 0 : index
    %get3A_43 = arith.constant 0 : index
    %get3A_44 = vector.load %arg6[%get3A_42, %get3A_43] : memref<256x512xf32, #tpu.memory_space<vmem>>, vector<256x256xf32>
    %dot_general3A_45 = arith.constant dense<0.000000e+00> : vector<2500x256xf32>
    %dot_general3A_46 = tpu.matmul %concatenate3A_40, %get3A_44, %dot_general3A_45 {dimension_numbers = #tpu.dot_dimension_numbers<[1], [1], [0], [0], [0, 0, 1, 0], [], []>, transpose_lhs_hint = false} : vector<2500x256xf32>, vector<256x256xf32>, vector<2500x256xf32> -> vector<2500x256xf32>
    %add3A_47 = vector.broadcast %add3A : vector<1x256xf32> to vector<2500x256xf32>
    %add3A_48 = arith.addf %dot_general3A_46, %add3A_47 : vector<2500x256xf32>
    %get3A_49 = arith.constant 0 : index
    %get3A_50 = arith.constant 0 : index
    %get3A_51 = vector.load %arg7[%get3A_49, %get3A_50] : memref<256x512xf32, #tpu.memory_space<vmem>>, vector<256x256xf32>
    %dot_general3A_52 = arith.constant dense<0.000000e+00> : vector<2500x256xf32>
    %dot_general3A_53 = tpu.matmul %concatenate3A_41, %get3A_51, %dot_general3A_52 {dimension_numbers = #tpu.dot_dimension_numbers<[1], [1], [0], [0], [0, 0, 1, 0], [], []>, transpose_lhs_hint = false} : vector<2500x256xf32>, vector<256x256xf32>, vector<2500x256xf32> -> vector<2500x256xf32>
    %add3A_54 = vector.broadcast %add3A_39 : vector<1x256xf32> to vector<2500x256xf32>
    %add3A_55 = arith.addf %dot_general3A_53, %add3A_54 : vector<2500x256xf32>
    %gt3A = arith.constant 0.000000e+00 : f32
    %gt3A_56 = vector.broadcast %gt3A : f32 to vector<2500x256xf32>
    %gt3A_57 = arith.cmpf ogt, %add3A_48, %gt3A_56 : vector<2500x256xf32>
    %mul3A = arith.constant 0.00999999977 : f32
    %mul3A_58 = vector.broadcast %mul3A : f32 to vector<2500x256xf32>
    %mul3A_59 = arith.mulf %mul3A_58, %add3A_48 : vector<2500x256xf32>
    %select_n3A = arith.select %gt3A_57, %add3A_48, %mul3A_59 : vector<2500x256xi1>, vector<2500x256xf32>
    %gt3A_60 = arith.constant 0.000000e+00 : f32
    %gt3A_61 = vector.broadcast %gt3A_60 : f32 to vector<2500x256xf32>
    %gt3A_62 = arith.cmpf ogt, %add3A_55, %gt3A_61 : vector<2500x256xf32>
    %mul3A_63 = arith.constant 0.00999999977 : f32
    %mul3A_64 = vector.broadcast %mul3A_63 : f32 to vector<2500x256xf32>
    %mul3A_65 = arith.mulf %mul3A_64, %add3A_55 : vector<2500x256xf32>
    %select_n3A_66 = arith.select %gt3A_62, %add3A_55, %mul3A_65 : vector<2500x256xi1>, vector<2500x256xf32>
    %get3A_67 = arith.constant 0 : index
    %get3A_68 = arith.constant 0 : index
    %get3A_69 = vector.load %arg8[%get3A_67, %get3A_68] : memref<256x256xf32, #tpu.memory_space<vmem>>, vector<256x256xf32>
    %dot_general3A_70 = arith.constant dense<0.000000e+00> : vector<2500x256xf32>
    %dot_general3A_71 = tpu.matmul %select_n3A_66, %get3A_69, %dot_general3A_70 {dimension_numbers = #tpu.dot_dimension_numbers<[1], [1], [0], [0], [0, 0, 1, 0], [], []>, transpose_lhs_hint = false} : vector<2500x256xf32>, vector<256x256xf32>, vector<2500x256xf32> -> vector<2500x256xf32>
    %get3A_72 = arith.constant 0 : index
    %get3A_73 = arith.constant 0 : index
    %get3A_74 = vector.load %arg11[%get3A_72, %get3A_73] : memref<1x256xf32, #tpu.memory_space<vmem>>, vector<1x256xf32>
    %add3A_75 = vector.broadcast %get3A_74 : vector<1x256xf32> to vector<2500x256xf32>
    %add3A_76 = arith.addf %dot_general3A_71, %add3A_75 : vector<2500x256xf32>
    %mul3A_77 = arith.mulf %select_n3A, %add3A_76 : vector<2500x256xf32>
    %reduce_sum3A = arith.constant dense<0.000000e+00> : vector<2500xf32>
    %reduce_sum3A_78 = vector.multi_reduction <add>, %mul3A_77, %reduce_sum3A [1] : vector<2500x256xf32> to vector<2500xf32>
    %swap3A = arith.constant 0 : index
    %swap3A_79 = arith.constant 0 : index
    %swap3A_80 = arith.constant 0 : index
    %swap3A_81 = vector.load %arg12[%swap3A, %swap3A_79, %swap3A_80] : memref<1x1x2500xf32, #tpu.memory_space<vmem>>, vector<1x1x2500xf32>
    %swap3A_82 = vector.shape_cast %swap3A_81 : vector<1x1x2500xf32> to vector<2500xf32>
    %swap3A_83 = vector.shape_cast %reduce_sum3A_78 : vector<2500xf32> to vector<1x1x2500xf32>
    tpu.vector_store %arg12[%swap3A, %swap3A_79, %swap3A_80], %swap3A_83 {strides = array<i32>} : memref<1x1x2500xf32, #tpu.memory_space<vmem>>, vector<1x1x2500xf32>,
    return
  }
  func.func @transform_0(%arg0: i32) -> (i32, i32, i32) {
    %c0_i32 = arith.constant 0 : i32
    %c0_i32_0 = arith.constant 0 : i32
    %c0_i32_1 = arith.constant 0 : i32
    return %arg0, %c0_i32, %c0_i32_0 : i32, i32, i32
  }
  func.func @transform_1(%arg0: i32) -> (i32, i32, i32) {
    %c0_i32 = arith.constant 0 : i32
    %c0_i32_0 = arith.constant 0 : i32
    %c0_i32_1 = arith.constant 0 : i32
    return %arg0, %c0_i32, %c0_i32_0 : i32, i32, i32
  }
  func.func @transform_2(%arg0: i32) -> (i32, i32, i32) {
    %c0_i32 = arith.constant 0 : i32
    %c0_i32_0 = arith.constant 0 : i32
    %c0_i32_1 = arith.constant 0 : i32
    return %arg0, %c0_i32, %c0_i32_0 : i32, i32, i32
  }
  func.func @transform_3(%arg0: i32) -> (i32, i32, i32) {
    %c0_i32 = arith.constant 0 : i32
    %c0_i32_0 = arith.constant 0 : i32
    %c0_i32_1 = arith.constant 0 : i32
    return %arg0, %c0_i32, %c0_i32_0 : i32, i32, i32
  }
  func.func @transform_4(%arg0: i32) -> (i32, i32, i32) {
    %c0_i32 = arith.constant 0 : i32
    %c0_i32_0 = arith.constant 0 : i32
    %c0_i32_1 = arith.constant 0 : i32
    return %arg0, %c0_i32, %c0_i32_0 : i32, i32, i32
  }
  func.func @transform_5(%arg0: i32) -> (i32, i32) {
    %c0_i32 = arith.constant 0 : i32
    %c0_i32_0 = arith.constant 0 : i32
    %c0_i32_1 = arith.constant 0 : i32
    return %c0_i32, %c0_i32_0 : i32, i32
  }
  func.func @transform_6(%arg0: i32) -> (i32, i32) {
    %c0_i32 = arith.constant 0 : i32
    %c0_i32_0 = arith.constant 0 : i32
    %c0_i32_1 = arith.constant 0 : i32
    return %c0_i32, %c0_i32_0 : i32, i32
  }
  func.func @transform_7(%arg0: i32) -> (i32, i32) {
    %c0_i32 = arith.constant 0 : i32
    %c0_i32_0 = arith.constant 0 : i32
    %c0_i32_1 = arith.constant 0 : i32
    return %c0_i32, %c0_i32_0 : i32, i32
  }
  func.func @transform_8(%arg0: i32) -> (i32, i32) {
    %c0_i32 = arith.constant 0 : i32
    %c0_i32_0 = arith.constant 0 : i32
    %c0_i32_1 = arith.constant 0 : i32
    return %c0_i32, %c0_i32_0 : i32, i32
  }
  func.func @transform_9(%arg0: i32) -> (i32, i32) {
    %c0_i32 = arith.constant 0 : i32
    %c0_i32_0 = arith.constant 0 : i32
    %c0_i32_1 = arith.constant 0 : i32
    return %c0_i32, %c0_i32_0 : i32, i32
  }
  func.func @transform_10(%arg0: i32) -> (i32, i32) {
    %c0_i32 = arith.constant 0 : i32
    %c0_i32_0 = arith.constant 0 : i32
    %c0_i32_1 = arith.constant 0 : i32
    return %c0_i32, %c0_i32_0 : i32, i32
  }
  func.func @transform_11(%arg0: i32) -> (i32, i32, i32) {
    %c0_i32 = arith.constant 0 : i32
    %c0_i32_0 = arith.constant 0 : i32
    %c0_i32_1 = arith.constant 0 : i32
    return %arg0, %c0_i32, %c0_i32_0 : i32, i32, i32
  }
}

module attributes {stable_mosaic.version = 14 : i64} {
  func.func @_topk_body(%arg0: memref<1xi32, #tpu.memory_space<smem>>, %arg1: memref<64x2500xf32, #tpu.memory_space<vmem>>, %arg2: memref<64x64xf32, #tpu.memory_space<vmem>>, %arg3: memref<64x64xi32, #tpu.memory_space<vmem>>, %arg4: memref<64x2500xf32, #tpu.memory_space<vmem>>) attributes {dimension_semantics = [], scalar_prefetch = 0 : i64, scratch_operands = 1 : i64, tpu.core_type = #tpu.core_type<tc>} {
    %get3A = arith.constant 0 : index
    %get3A_0 = arith.constant 0 : index
    %get3A_1 = vector.load %arg1[%get3A, %get3A_0] : memref<64x2500xf32, #tpu.memory_space<vmem>>, vector<64x2500xf32>
    %swap3A = arith.constant 0 : index
    %swap3A_2 = arith.constant 0 : index
    %swap3A_3 = vector.load %arg4[%swap3A, %swap3A_2] : memref<64x2500xf32, #tpu.memory_space<vmem>>, vector<64x2500xf32>
    tpu.vector_store %arg4[%swap3A, %swap3A_2], %get3A_1 {strides = array<i32>} : memref<64x2500xf32, #tpu.memory_space<vmem>>, vector<64x2500xf32>,
    %iota3A = tpu.iota {dimensions = array<i32: 1>} : vector<64x2500xi32>
    %iota3A_4 = tpu.iota {dimensions = array<i32: 1>} : vector<64x64xi32>
    %iota3A_5 = tpu.iota {dimensions = array<i32: 0>} : vector<64x64xi32>
    %broadcast_in_dim3A = arith.constant 0.000000e+00 : f32
    %broadcast_in_dim3A_6 = vector.broadcast %broadcast_in_dim3A : f32 to vector<64x64xf32>
    %broadcast_in_dim3A_7 = arith.constant 0 : i32
    %broadcast_in_dim3A_8 = vector.broadcast %broadcast_in_dim3A_7 : i32 to vector<64x64xi32>
    %scan3A = arith.constant 0 : i32
    %scan3A_9 = arith.constant 64 : i32
    %scan3A_10 = arith.addi %scan3A, %scan3A_9 : i32
    %scan3A_11 = arith.constant 1 : i32
    %scan3A_12:2 = scf.for %scan3A_26 = %scan3A to %scan3A_10 step %scan3A_11 iter_args(%scan3A_27 = %broadcast_in_dim3A_6, %scan3A_28 = %broadcast_in_dim3A_8) -> (vector<64x64xf32>, vector<64x64xi32>)  : i32 {
      %get3A_29 = arith.constant 0 : index
      %get3A_30 = arith.constant 0 : index
      %get3A_31 = vector.load %arg4[%get3A_29, %get3A_30] : memref<64x2500xf32, #tpu.memory_space<vmem>>, vector<64x2500xf32>
      %reduce_max3A = arith.constant dense<0xFF800000> : vector<64xf32>
      %reduce_max3A_32 = vector.multi_reduction <maximumf>, %get3A_31, %reduce_max3A [1] : vector<64x2500xf32> to vector<64xf32>
      %broadcast_in_dim3A_33 = vector.shape_cast %reduce_max3A_32 : vector<64xf32> to vector<64x1xf32>
      %eq3A = vector.broadcast %broadcast_in_dim3A_33 : vector<64x1xf32> to vector<64x2500xf32>
      %eq3A_34 = arith.cmpf oeq, %get3A_31, %eq3A : vector<64x2500xf32>
      %jit3A_35 = arith.constant 2500 : i32
      %broadcast_in_dim3A_36 = vector.broadcast %jit3A_35 : i32 to vector<64x2500xi32>
      %select_n3A_37 = arith.select %eq3A_34, %iota3A, %broadcast_in_dim3A_36 : vector<64x2500xi1>, vector<64x2500xi32>
      %reduce_min3A = arith.constant dense<2147483647> : vector<64xi32>
      %reduce_min3A_38 = vector.multi_reduction <minsi>, %select_n3A_37, %reduce_min3A [1] : vector<64x2500xi32> to vector<64xi32>
      %eq3A_39 = vector.broadcast %scan3A_26 : i32 to vector<64x64xi32>
      %eq3A_40 = arith.cmpi eq, %iota3A_4, %eq3A_39 : vector<64x64xi32>
      %broadcast_in_dim3A_41 = vector.shape_cast %reduce_max3A_32 : vector<64xf32> to vector<64x1xf32>
      %broadcast_in_dim3A_42 = vector.shape_cast %broadcast_in_dim3A_41 : vector<64x1xf32> to vector<64x1xf32>
      %broadcast_in_dim3A_43 = vector.broadcast %broadcast_in_dim3A_42 : vector<64x1xf32> to vector<64x64xf32>
      %select_n3A_44 = arith.select %eq3A_40, %broadcast_in_dim3A_43, %scan3A_27 : vector<64x64xi1>, vector<64x64xf32>
      %eq3A_45 = vector.broadcast %scan3A_26 : i32 to vector<64x64xi32>
      %eq3A_46 = arith.cmpi eq, %iota3A_4, %eq3A_45 : vector<64x64xi32>
      %broadcast_in_dim3A_47 = vector.shape_cast %reduce_min3A_38 : vector<64xi32> to vector<64x1xi32>
      %broadcast_in_dim3A_48 = vector.shape_cast %broadcast_in_dim3A_47 : vector<64x1xi32> to vector<64x1xi32>
      %broadcast_in_dim3A_49 = vector.broadcast %broadcast_in_dim3A_48 : vector<64x1xi32> to vector<64x64xi32>
      %select_n3A_50 = arith.select %eq3A_46, %broadcast_in_dim3A_49, %scan3A_28 : vector<64x64xi1>, vector<64x64xi32>
      %broadcast_in_dim3A_51 = vector.shape_cast %reduce_min3A_38 : vector<64xi32> to vector<64x1xi32>
      %eq3A_52 = vector.broadcast %broadcast_in_dim3A_51 : vector<64x1xi32> to vector<64x2500xi32>
      %eq3A_53 = arith.cmpi eq, %iota3A, %eq3A_52 : vector<64x2500xi32>
      %jit3A_54 = arith.constant -1.000000e+00 : f32
      %broadcast_in_dim3A_55 = vector.broadcast %jit3A_54 : f32 to vector<64x2500xf32>
      %select_n3A_56 = arith.select %eq3A_53, %broadcast_in_dim3A_55, %get3A_31 : vector<64x2500xi1>, vector<64x2500xf32>
      %swap3A_57 = arith.constant 0 : index
      %swap3A_58 = arith.constant 0 : index
      %swap3A_59 = vector.load %arg4[%swap3A_57, %swap3A_58] : memref<64x2500xf32, #tpu.memory_space<vmem>>, vector<64x2500xf32>
      tpu.vector_store %arg4[%swap3A_57, %swap3A_58], %select_n3A_56 {strides = array<i32>} : memref<64x2500xf32, #tpu.memory_space<vmem>>, vector<64x2500xf32>,
      scf.yield %select_n3A_44, %select_n3A_50 : vector<64x64xf32>, vector<64x64xi32>
    }
    %scan3A_13 = arith.constant 64 : i32
    %get3A_14 = arith.constant 0 : index
    %get3A_15 = memref.load %arg0[%get3A_14] : memref<1xi32, #tpu.memory_space<smem>>
    %lt3A = vector.broadcast %get3A_15 : i32 to vector<64x64xi32>
    %lt3A_16 = arith.cmpi slt, %iota3A_4, %lt3A : vector<64x64xi32>
    %jit3A = arith.constant 0.000000e+00 : f32
    %broadcast_in_dim3A_17 = vector.broadcast %jit3A : f32 to vector<64x64xf32>
    %select_n3A = arith.select %lt3A_16, %scan3A_12#0, %broadcast_in_dim3A_17 : vector<64x64xi1>, vector<64x64xf32>
    %swap3A_18 = arith.constant 0 : index
    %swap3A_19 = arith.constant 0 : index
    %swap3A_20 = vector.load %arg2[%swap3A_18, %swap3A_19] : memref<64x64xf32, #tpu.memory_space<vmem>>, vector<64x64xf32>
    tpu.vector_store %arg2[%swap3A_18, %swap3A_19], %select_n3A {strides = array<i32>} : memref<64x64xf32, #tpu.memory_space<vmem>>, vector<64x64xf32>,
    %mul3A = arith.constant 2500 : i32
    %mul3A_21 = vector.broadcast %mul3A : i32 to vector<64x64xi32>
    %mul3A_22 = arith.muli %iota3A_5, %mul3A_21 : vector<64x64xi32>
    %add3A = arith.addi %scan3A_12#1, %mul3A_22 : vector<64x64xi32>
    %swap3A_23 = arith.constant 0 : index
    %swap3A_24 = arith.constant 0 : index
    %swap3A_25 = vector.load %arg3[%swap3A_23, %swap3A_24] : memref<64x64xi32, #tpu.memory_space<vmem>>, vector<64x64xi32>
    tpu.vector_store %arg3[%swap3A_23, %swap3A_24], %add3A {strides = array<i32>} : memref<64x64xi32, #tpu.memory_space<vmem>>, vector<64x64xi32>,
    return
  }
}

</mosaic_0001>

<sc_bundles>
// kernel: kernel.10.cloned.1.call-start
scs
__scs_entry_jumppad:
0x0: {  	(pc) =	sbr.rel $0x88, $3  }
0x1: {  	(tag) =	ssettag $0x0;
	lr =	simm.s32 $0x1  }
0x2: {  	[smem:$0x3F94] =	sst lr;
	_ =	strace $0xD0000000  }
0x3: {  	_ = 	snop  }
0x4: {  	_ = 	snop  }
0x5: {  	_ = 	snop  }
0x6: {  	_ = 	snop  }
0x7: {  	_ = 	snop  }
__scs_overlays_trampoline_lowered:
0x8: {  	[smem:$0x3FA3] =	sst s0  }
0x9: {  	[smem:$0x3FA4] =	sst s1  }
0xa: {  	[smem:$0x3FA5] =	sst s2  }
0xb: {  	[smem:$0x3FA6] =	sst s3  }
0xc: {  	[smem:$0x3FA7] =	sst s4  }
0xd: {  	[smem:$0x3FA8] =	sst s5  }
0xe: {  	[smem:$0x3FA9] =	sst s6  }
0xf: {  	[smem:$0x3FAA] =	sst s7  }
0x10: {  	[smem:$0x3FAB] =	sst s8  }
0x11: {  	[smem:$0x3FAC] =	sst s9;
	s0 =	simm.s32 @!p0 $0x0  }
0x12: {  	s1 =	sld [smem:$0x3F92];
	s0 =	simm.s32 @p0 $0x1  }
0x13: {  	[smem:$0x3FAD] =	sst s0;
	s0 =	simm.s32 @!p1 $0x0  }
0x14: {  	s2 =	sld [smem:$0x3F91];
	s0 =	simm.s32 @p1 $0x1  }
0x15: {  	[smem:$0x3FAE] =	sst s0;
	s0 =	simm.s32 @!p2 $0x0  }
0x16: {  	s3 =	sld [smem:$0x3FDB];
	s0 =	simm.s32 @p2 $0x1  }
0x17: {  	s4 =	simm.s32 $0x1BF5;
	[smem:$0x3FB0] =	sst s0  }
0x18: {  	s0 =	sld [smem:$0x3F93];
	_ =	swait.ge [sflag:s4], $0x0  }
0x19: {  	s7 =	sld [smem:$0x3F94]  }
0x1a: {  	s8 =	sadd.s32 $0xFFFFE003, lr  }
0x1b: {  	s9 =	sadd.s32 $0xFFFFFEF7, lr;
	s5 =	simm.s32 $0xFFFFFFFF;
	p2 =	slt.u32 s8, $0xFFFFF086  }
0x1c: {  	p1 =	slt.u32 s9, $0xF7A;
	s5 =	simm.s32 @!p2 $0x0  }
0x1d: {  	s5 =	simm.s32 @p1 $0x1;
	p0 =	seq.s32 s7, s2  }
0x1e: {  	s7 =	smul.u32 @!p0 $0xF7A, s2;
	p2 =	seq.s32 @!p0 s5, $0x0  }
0x1f: {  	s9 =	smul.u32 $0xF7A, s1;
	s8 =	simm.s32 @!p0 $0x1BF5;
	p2 =	por !p2, p0  }
0x20: {  	[sflag:s8] =	ssyncset.s32 @!p0 $0xFFFFF086;
	s6 =	sadd.s32 @!p0 s3, s7;
	s7 =	simm.s32 @!p0 $0x108  }
0x21: {  	s3 =	sadd.s32 s3, s9;
	s6 =	sadd.s32 @!p0 $0x88, s6;
	s7 =	simm.s32 @p2 $0x1082  }
0x22: {  	[simem:s7], [sflag:s8] =	dma.local @!p0 [hbm:s6], $0xF7A  }
0x23: {  	s9 =	sor.u32 $0xD0000000, s2;
	s6 =	simm.s32 $0x108;
	_ =	swait.ge @!p0 [sflag:s8], $0x0  }
0x24: {  	s3 =	sadd.s32 $0x88, s3;
	s6 =	simm.s32 @!p1 $0x1082;
	[sflag:s4] =	ssyncset.s32 $0xFFFFF086  }
0x25: {  	[simem:s6], [sflag:s4] =	dma.local [hbm:s3], $0xF7A  }
0x26: {  	[smem:$0x3F94] =	sst s1;
	(tag) =	ssettag s2;
	_ =	strace s9  }
0x27: {  	s1 =	sld [smem:$0x3FA4]  }
0x28: {  	s2 =	sld [smem:$0x3FA5]  }
0x29: {  	s4 =	sld [smem:$0x3FA7]  }
0x2a: {  	p0 =	seq.s32 s5, $0x0;
	s5 =	sld [smem:$0x3FA8]  }
0x2b: {  	s6 =	sld [smem:$0x3FA9]  }
0x2c: {  	s7 =	sld [smem:$0x3FAA]  }
0x2d: {  	s3 =	simm.s32 $0x108;
	s8 =	sld [smem:$0x3FAB]  }
0x2e: {  	s3 =	simm.s32 @!p0 $0x1082;
	s9 =	sld [smem:$0x3FAC]  }
0x2f: {  	lr =	sadd.s32 s0, s3;
	s0 =	sld [smem:$0x3FA3]  }
0x30: {  	s3 =	sld [smem:$0x3FA6]  }
0x31: {  	[smem:$0x3FAF] =	sst s10  }
0x32: {  	s10 =	sld [smem:$0x3FAD];
	_ =	sdelay $0x3  }
0x33: {  	p0 =	seq.s32 s10, $0x1;
	s10 =	sld [smem:$0x3FAF];
	_ =	sdelay $0x3  }
0x34: {  	[smem:$0x3FAF] =	sst s10  }
0x35: {  	s10 =	sld [smem:$0x3FAE];
	_ =	sdelay $0x3  }
0x36: {  	p1 =	seq.s32 s10, $0x1;
	s10 =	sld [smem:$0x3FAF];
	_ =	sdelay $0x3  }
0x37: {  	[smem:$0x3FAF] =	sst s10  }
0x38: {  	s10 =	sld [smem:$0x3FB0]  }
0x39: {  	_ = 	snop;
	(pc) =	sbr.ind lr, $3  }
0x3a: {  	_ = 	snop  }
0x3b: {  	_ = 	snop  }
0x3c: {  	p2 =	seq.s32 s10, $0x1;
	s10 =	sld [smem:$0x3FAF]  }
0x3d: {  	_ =	shalt  }
0x3e: {  	_ =	shalt  }
0x3f: {  	_ =	shalt  }
0x40: {  	_ =	shalt  }
0x41: {  	_ =	shalt  }
0x42: {  	_ =	shalt  }
0x43: {  	_ =	shalt  }
0x44: {  	_ =	shalt  }
0x45: {  	_ =	shalt  }
0x46: {  	_ =	shalt  }
0x47: {  	_ =	shalt  }
0x48: {  	_ =	shalt  }
0x49: {  	_ =	shalt  }
0x4a: {  	_ =	shalt  }
0x4b: {  	_ =	shalt  }
0x4c: {  	_ =	shalt  }
0x4d: {  	_ =	shalt  }
0x4e: {  	_ =	shalt  }
0x4f: {  	_ =	shalt  }
0x50: {  	_ =	shalt  }
0x51: {  	_ =	shalt  }
0x52: {  	_ =	shalt  }
0x53: {  	_ =	shalt  }
0x54: {  	_ =	shalt  }
0x55: {  	_ =	shalt  }
0x56: {  	_ =	shalt  }
0x57: {  	_ =	shalt  }
0x58: {  	_ =	shalt  }
0x59: {  	_ =	shalt  }
0x5a: {  	_ =	shalt  }
0x5b: {  	_ =	shalt  }
0x5c: {  	_ =	shalt  }
0x5d: {  	_ =	shalt  }
0x5e: {  	_ =	shalt  }
0x5f: {  	_ =	shalt  }
0x60: {  	_ =	shalt  }
0x61: {  	_ =	shalt  }
0x62: {  	_ =	shalt  }
0x63: {  	_ =	shalt  }
0x64: {  	_ =	shalt  }
0x65: {  	_ =	shalt  }
0x66: {  	_ =	shalt  }
0x67: {  	_ =	shalt  }
0x68: {  	_ =	shalt  }
0x69: {  	_ =	shalt  }
0x6a: {  	_ =	shalt  }
0x6b: {  	_ =	shalt  }
0x6c: {  	_ =	shalt  }
0x6d: {  	_ =	shalt  }
0x6e: {  	_ =	shalt  }
0x6f: {  	_ =	shalt  }
0x70: {  	_ =	shalt  }
0x71: {  	_ =	shalt  }
0x72: {  	_ =	shalt  }
0x73: {  	_ =	shalt  }
0x74: {  	_ =	shalt  }
0x75: {  	_ =	shalt  }
0x76: {  	_ =	shalt  }
0x77: {  	_ =	shalt  }
0x78: {  	_ =	shalt  }
0x79: {  	_ =	shalt  }
0x7a: {  	_ =	shalt  }
0x7b: {  	_ =	shalt  }
0x7c: {  	_ =	shalt  }
0x7d: {  	_ =	shalt  }
0x7e: {  	_ =	shalt  }
0x7f: {  	_ =	shalt  }
0x80: {  	_ =	shalt  }
0x81: {  	_ =	shalt  }
0x82: {  	_ =	shalt  }
0x83: {  	_ =	shalt  }
0x84: {  	_ =	shalt  }
0x85: {  	_ =	shalt  }
0x86: {  	_ =	shalt  }
0x87: {  	_ =	shalt  }
.Lfunc_end0:
.L_simem_size_0:
called_computation.1_lowered:
.L_overlay_start_0:
0x88: {  	s2 =	sld [smem:$0x3FD9]  }
0x89: {  	s3 =	sld [smem:$0x3FFE];
	_ =	sdelay $0x1  }
0x8a: {  	s1 =	srdreg.scid  }
0x8b: {  	s0 =	sand.u32 $0x1, s1  }
0x8c: {  	s17 =	sshll.u32 s0, $0xA;
	s2 =	sadd.s32 s3, s2  }
0x8d: {  	s2 =	sadd.s32 s2, s17  }
0x8e: {  	[smem:$0x3FBB] =	sst s2  }
0x8f: {  	_ = 	snop  }
0x90: {  	s2 =	sld [smem:$0x3FC8];
	(tm) =	ssettm $0x1  }
0x91: {  	s18 =	sld [smem:$0x3FFB];
	_ =	sdelay $0x3  }
0x92: {  	_ =	strace s18  }
0x93: {  	s3 =	sld [smem:$0x3FFC];
	_ =	sdelay $0x3  }
0x94: {  	_ =	strace s3  }
0x95: {  	s3 =	sld [smem:$0x3FFD];
	_ =	sdelay $0x3  }
0x96: {  	_ =	strace s3  }
0x97: {  	_ =	strace $0x8FFFFFFF  }
0x98: {  	s19 =	sld [smem:$0x3FDB];
	_ =	sdelay $0x1  }
0x99: {  	s4 =	simm.s32 $_scs_section_size  }
0x9a: {  	s5 =	simm.s32 $_size__tile_overlayer_lowered;
	s6 =	simm.s32 $_tile_overlayer_lowered  }
0x9b: {  	s22 =	simm.s32 $0x1BFF;
	s21 =	sshll.u32 s6, $0x1;
	s3 =	sadd.s32 s4, s19  }
0x9c: {  	s7 =	simm.s32 $0x0;
	s20 =	sshll.u32 s5, $0x1;
	s5 =	sadd.s32 s21, s3  }
0x9d: {  	[timem:s7], [sflag:s22] =	dma.local [hbm:s5], s20  }
0x9e: {  	_ =	swait.ge [sflag:s22], s20  }
0x9f: {  	s4 =	ssub.s32 $0x0, s20;
	[sflag:s22] =	ssyncset.done $0x0  }
0xa0: {  	[sflag:s22] =	ssyncadd.s32 s4;
	_ =	sdelay $0x1  }
0xa1: {  	s23 =	simm.s32 $0x1B8B  }
0xa2: {  	_ =	swait.ge [sflag:s23], $0x1  }
0xa3: {  	[sflag:s23] =	ssyncset.done $0x0  }
0xa4: {  	s25 =	simm.s32 $0x1B8E;
	s24 =	sld [smem:$0x3FFE];
	[sflag:s23] =	ssyncadd.s32 $0xFFFFFFFF  }
0xa5: {  	s26 =	simm.s32 $execute0_lowered;
	[smem:$0x3FD2] =	sst s25  }
0xa6: {  	s5 =	sshll.u32 s26, $0x1;
	_ =	strace $0x80000049;
	[dreg:$0x1] =	wrdreg $0xFFFFFFFF  }
0xa7: {  	s28 =	simm.s32 $_size_execute0_lowered;
	s3 =	sadd.s32 s3, s5;
	[dreg:$0x0] =	wrdreg $0x0  }
0xa8: {  	s5 =	sshll.u32 s28, $0x1;
	[dreg:$0x2] =	wrdreg s3  }
0xa9: {  	[dreg:$0x3] =	wrdreg s5  }
0xaa: {  	[dreg:$0x4] =	wrdreg $0xC0  }
0xab: {  	_ =	task [dreg:s7], $0x5FFFF  }
0xac: {  	[dreg:$0x1] =	wrdreg $0xFFFFFFFF  }
0xad: {  	[dreg:$0x0] =	wrdreg $0x60  }
0xae: {  	[dreg:$0x2] =	wrdreg s24  }
0xaf: {  	[dreg:$0x3] =	wrdreg s2  }
0xb0: {  	[dreg:$0x4] =	wrdreg $0xF4000  }
0xb1: {  	[dreg:$0x5] =	wrdreg $0x11C000  }
0xb2: {  	[dreg:$0x6] =	wrdreg $0x11E800  }
0xb3: {  	[dreg:$0x7] =	wrdreg $0x9  }
0xb4: {  	_ =	task.clear_ibuf [dreg:s7], $0x8FFFF;
	_ =	strace $0x90000049  }
0xb5: {  	s29 =	simm.s32 $0x9;
	_ =	strace $0x8000004B  }
0xb6: {  	_ =	swait.ge [sflag:s29], $0x1  }
0xb7: {  	[sflag:s29] =	ssyncadd.s32 $0xFFFFFFFF  }
0xb8: {  	_ =	strace $0x9000004B  }
0xb9: {  	_ =	sfence  }
0xba: {  	s30 =	sld [smem:$0x0];
	_ =	sdelay $0x2  }
0xbb: {  	s31 =	sshll.u32 s1, $0xD;
	s1 =	sshrl.u32 s1, $0x2  }
0xbc: {  	s3 =	sand.u32 $0x4000, s31;
	s1 =	sadd.s32 s1, s30  }
0xbd: {  	s0 =	sor.u32 s3, s0;
	s1 =	sshll.u32 s1, $0x11  }
0xbe: {  	s0 =	sor.u32 s1, s0  }
0xbf: {  	s0 =	sadd.s32 $0x8F2B, s0  }
0xc0: {  	[sflag:s0] =	ssyncadd.remote.s32 $0x1  }
0xc1: {  	_ =	sfence.sel $0xFFFF  }
0xc2: {  	[dreg:$0x0] =	wrdreg $0xFFFFFFFF;
	(pc) =	sbr.abs _section_cstart, $3  }
0xc3: {  	[dreg:$0x1] =	wrdreg $0xFFFFFFFF  }
0xc4: {  	_ =	task.clear_ibuf [dreg:s7], $0x2FFFF;
	_ =	strace $0x9FFFFFFF  }
0xc5: {  	(tm) =	ssettm $0x7FFFFFFF  }
tec
execute0_lowered:
.L_overlay_start_1:
0x0: {  	(tag) =	ssettag $0x1  }
0x1: {  	s5 =	rddreg [dreg:$0x0]  }
0x2: {  	s1 =	rddreg [dreg:$0x1]  }
0x3: {  	s9 =	rddreg [dreg:$0x2]  }
0x4: {  	s2 =	rddreg [dreg:$0x3]  }
0x5: {  	s3 =	rddreg [dreg:$0x4];
	s22 =	stileid.u32  }
0x6: {  	s4 =	simm.s32 $0x0;
	s6 =	srdreg.scid;
	s16 =	simm.s32 $0x7800  }
0x7: {  	s17 =	simm.s32 $0x9F80;
	s18 =	simm.s32 $0x80;
	s19 =	simm.s32 $0x400  }
0x8: {  	s20 =	simm.s32 $0xF180;
	s21 =	simm.s32 $0xEF00;
	s23 =	simm.s32 $0x5000  }
0x9: {  	s24 =	simm.s32 $0x0;
	s8 =	smul.u32 $0x2800, s22;
	[smem:$0x7FF] =	sst s4  }
0xa: {  	s14 =	sand.u32 $0x1, s6;
	s7 =	smul.u32 $0x4F0, s22;
	s29 =	sshrl.u32 s22, $0x3  }
0xb: {  	s15 =	sshll.u32 s22, $0x7;
	p1 =	sne.s32 s22, $0x0;
	s22 =	simm.s32 $0x2800  }
0xc: {  	s10 =	ssub.s32 $0x2, s14;
	_ =	strace $0x8000004A;
	s30 =	smul.u32 $0x1400, s29  }
0xd: {  	s31 =	sand.u32 $0x380, s15;
	p0 =	sne.s32 s14, $0x0;
	s14 =	simm.s32 $0xC780  }
0xe: {  	s26 =	sshrl.u32 s8, $0x3;
	s28 =	sshrl.u32 s10, $0x1;
	s12 =	sadd.s32 s7, s5  }
.Ltmp0:
0xf: {  	s8 =	sadd.s32 s8, s9;
	s11 =	sadd.s32 s26, s5;
	(pc) =	sbr.rel .LBB2_1-.Ltmp0, $4  }
0x10: {  	s13 =	ssub.s32 s10, s28;
	s5 =	sadd.s32 $0x764800, s12;
	s6 =	sadd.s32 $0x6800, s12  }
0x11: {  	s15 =	sor.u32 s31, s30;
	s10 =	sadd.s32 s30, s9;
	s12 =	sadd.s32 $0xB800, s12  }
0x12: {  	s7 =	sadd.s32 $0x769800, s11;
	s9 =	sadd.s32 s15, s9;
	s10 =	sadd.s32 s31, s10  }
0x13: {  	v0 =	vimm.f32 $-1.000000020e+30;
	v1 =	vimm.s32 $0x0;
	v2 =	vimm.f32 $0.0e+00;
	s11 =	sadd.s32 s15, s2;
	s13 =	smax.u32 s13, $0x1;
	s15 =	simm.s32 $0x1  }
.LBB2_30:
0x14: {  	[bflag:$0x0] =	sbarrier.arrive $0xFFFF  }
0x15: {  	[bflag:$0x0] =	sbarrier.arrive $0xFFFF  }
0x16: {  	[bflag:$0x0] =	sbarrier.arrive $0xFFFF  }
.LBB2_28:
0x17: {  	s24 =	sadd.s32 $0x1, s24  }
0x18: {  	p2 =	sne.s32 s24, s13  }
.Ltmp1:
0x19: {  	_ = 	snop;
	(pc) =	sbr.rel @!p2 .LBB2_29-.Ltmp1, $1  }
0x1a: {  	_ =	sdelay $0x3  }
.LBB2_1:
.Ltmp2:
0x1b: {  	(pc) =	sbr.rel @p0 .LBB2_30-.Ltmp2, $1  }
0x1c: {  	_ =	sdelay $0x3  }
0x1d: {  	s25 =	simm.s32 $0x0  }
0x1e: {  	[tilespmem:s14], [sflag:$0x1] =	stream.linear.gather [hbm4b:s6+s25], $0x2780, $0x38;
	[tilespmem:$0x12100] =	vst v63  }
0x1f: {  	_ =	swait.ge [sflag:s15], $0x2780  }
0x20: {  	[sflag:s15] =	ssyncset.done $0x0  }
0x21: {  	[sflag:s15] =	ssyncadd.s32 $0xFFFFD880  }
0x22: {  	[tilespmem:s16], [sflag:$0x1] =	stream.linear.gather [hbm4b:s5+s25], $0x2780, $0x38;
	[tilespmem:$0x12100] =	vst v63  }
0x23: {  	_ =	swait.ge [sflag:s15], $0x2780  }
0x24: {  	[sflag:s15] =	ssyncset.done $0x0  }
0x25: {  	[sflag:s15] =	ssyncadd.s32 $0xFFFFD880  }
0x26: {  	[tilespmem:s17], [sflag:$0x1] =	stream.linear.gather [hbm4b:s7+s25], $0x2780, $0x38;
	[tilespmem:$0x12100] =	vst v63  }
0x27: {  	_ =	swait.ge [sflag:s15], $0x2780  }
0x28: {  	[sflag:s15] =	ssyncset.done $0x0  }
0x29: {  	s26 =	simm.s32 $0x0;
	[sflag:s15] =	ssyncadd.s32 $0xFFFFD880  }
.LBB2_3:
0x2a: {  	p2 =	sne.s32 s26, $0x9FC0  }
.Ltmp3:
0x2b: {  	_ = 	snop;
	(pc) =	sbr.rel @p2 .LBB2_3-.Ltmp3, $3  }
0x2c: {  	_ =	sdelay $0x1  }
0x2d: {  	s28 =	sshra.s32 s26, $0x2  }
0x2e: {  	s26 =	sadd.s32 $0x40, s26;
	[tilespmem:s28+$0x0] =	vst v0  }
0x2f: {  	v3 =	vimm.s32 $0x0  }
.LBB2_5:
0x30: {  	s26 =	sshra.s32 s25, $0x2  }
0x31: {  	v4 =	vld [tilespmem:s26+$0x7800];
	_ =	sdelay $0x6  }
0x32: {  	v5 =	vld [tilespmem:s26+$0xC780]  }
0x33: {  	v6 =	vld.idx.msk [tilespmem:v4+s4+$0x0], $0xffff;
	_ =	sdelay $0x4  }
0x34: {  	vm0 =	vgt.f32 v5, v6  }
0x35: {  	p2 =	sne.s32 s25, $0x9DC0  }
.Ltmp4:
0x36: {  	_ = 	snop;
	(pc) =	sbr.rel @p2 .LBB2_5-.Ltmp4, $3  }
0x37: {  	_ =	sdelay $0x1  }
0x38: {  	v5 =	vmax.f32 v6, v5;
	v63 =	vsel vm0, $0x1, v1  }
0x39: {  	s25 =	sadd.s32 $0x40, s25;
	v3 =	vadd.s32 v63, v3;
	[tilespmem:v4+s4+$0x0] =	vst.idx.msk vm0, v5  }
0x3a: {  	(xrf0) =	vadd.scan.msk.s32 $0xffff, v3;
	_ =	sdelay $0x5  }
0x3b: {  	v3, _, _ =	vpop (xrf0)  }
0x3c: {  	(v2sf) =	vpush v3, $0xF;
	_ =	sdelay $0xe  }
0x3d: {  	s25 =	spop (v2sf)  }
0x3e: {  	p2 =	slt.s32 s25, $0x1  }
.Ltmp5:
0x3f: {  	_ = 	snop;
	(pc) =	sbr.rel @p2 .LBB2_9-.Ltmp5, $1  }
0x40: {  	_ =	sdelay $0x3  }
0x41: {  	s25 =	simm.s32 $0x0;
	v3 =	vimm.s32 $0x0  }
.LBB2_8:
0x42: {  	s26 =	sshll.u32 s25, $0x4  }
0x43: {  	v4 =	vld [tilespmem:s26+$0x7800];
	_ =	sdelay $0x6  }
0x44: {  	v5 =	vld [tilespmem:s26+$0xC780]  }
0x45: {  	v6 =	vld.idx.msk [tilespmem:v4+s4+$0x0], $0xffff;
	_ =	sdelay $0x4  }
0x46: {  	vm0 =	vgt.f32 v5, v6  }
0x47: {  	s25 =	sadd.s32 $0x1, s25;
	v7 =	vsel vm0, $0x1, v1  }
0x48: {  	p2 =	sne.s32 s25, $0x278;
	v3 =	vadd.s32 v7, v3  }
0x49: {  	(xrf0) =	vadd.scan.msk.s32 @!p2 $0xffff, v3;
	_ =	sdelay $0x5  }
0x4a: {  	v7, _, _ =	vpop @!p2 (xrf0)  }
0x4b: {  	(v2sf) =	vpush @!p2 v7, $0xF;
	_ =	sdelay $0xe  }
0x4c: {  	s26 =	spop @!p2 (v2sf)  }
0x4d: {  	p3 =	sgt.s32 @!p2 s26, $0x0  }
0x4e: {  	p3 =	por p2, p3  }
.Ltmp6:
0x4f: {  	_ = 	snop;
	(pc) =	sbr.rel @p3 .LBB2_8-.Ltmp6, $3  }
0x50: {  	_ =	sdelay $0x1  }
0x51: {  	v5 =	vmax.f32 v6, v5  }
0x52: {  	s25 =	simm.s32 @!p2 $0x0;
	v3 =	vpsel !p2, $0x0, v3;
	[tilespmem:v4+s4+$0x0] =	vst.idx.msk vm0, v5  }
.LBB2_9:
0x53: {  	s25 =	simm.s32 $0x0  }
0x54: {  	s25 =	smul.u32 $0x5000, s25;
	_ =	sdelay $0x1  }
0x55: {  	s26 =	simm.s32 $0x0;
	s25 =	sshra.s32 s25, $0x2  }
0x56: {  	s28 =	sand.u32 $0x380, s26;
	s25 =	sadd.s32 s25, s8  }
0x57: {  	s29 =	simm.s32 $0x0;
	s25 =	sadd.s32 s28, s25  }
0x58: {  	[spmem:s25] =	stream.strided.scatter [tilespmem:s26], [sflag:$0x1], $0x280, s19, s18, $0x38;
	[tilespmem:$0x12100] =	vst v63  }
0x59: {  	s29 =	smul.u32 $0x5000, s29;
	s28 =	simm.s32 $0x2;
	_ =	swait.ge [sflag:s15], $0x280  }
0x5a: {  	s25 =	simm.s32 $0x280;
	s26 =	simm.s32 $0x80;
	[sflag:s15] =	ssyncset.done $0x0  }
.LBB2_10:
0x5b: {  	s29 =	sshra.s32 s29, $0x2;
	[sflag:s15] =	ssyncadd.s32 $0xFFFFFD80  }
0x5c: {  	s30 =	smov.u32 s28;
	s31 =	sadd.s32 $0x1, s28;
	p2 =	sne.s32 s28, $0xF  }
.Ltmp7:
0x5d: {  	s0 =	sand.u32 $0x380, s26;
	s29 =	sadd.s32 s29, s8;
	(pc) =	sbr.rel @p2 .LBB2_10-.Ltmp7, $4  }
0x5e: {  	s30 =	sshrl.u32 s30, $0x3;
	s0 =	sadd.s32 s0, s29  }
0x5f: {  	[spmem:s0] =	stream.strided.scatter [tilespmem:s25], [sflag:$0x1], $0x280, s19, s18, $0x38;
	[tilespmem:$0x12100] =	vst v63  }
0x60: {  	s26 =	sadd.s32 $0x80, s26;
	s29 =	smul.u32 $0x5000, s30;
	_ =	swait.ge [sflag:s15], $0x280  }
0x61: {  	s28 =	smov.u32 s31;
	s25 =	sadd.s32 $0x280, s25;
	[sflag:s15] =	ssyncset.done $0x0  }
0x62: {  	s0 =	sshra.s32 s29, $0x2  }
0x63: {  	s26 =	sand.u32 $0x380, s26;
	s0 =	sadd.s32 s0, s8  }
0x64: {  	[sflag:s15] =	ssyncadd.s32 $0xFFFFFD80;
	s0 =	sadd.s32 s26, s0  }
0x65: {  	[spmem:s0] =	stream.strided.scatter [tilespmem:s25], [sflag:$0x1], $0x280, s19, s18, $0x38;
	[tilespmem:$0x12100] =	vst v63  }
0x66: {  	_ =	swait.ge [sflag:s15], $0x280  }
0x67: {  	[sflag:s15] =	ssyncset.done $0x0  }
0x68: {  	[sflag:s15] =	ssyncadd.s32 $0xFFFFFD80  }
0x69: {  	s25 =	simm.s32 $0x1;
	[bflag:$0x0] =	sbarrier.arrive $0xFFFF  }
0x6a: {  	[tilespmem:s20], [sflag:$0x1] =	stream.strided.gather [spmem:s9], $0x280, s19, s18, $0x38;
	[tilespmem:$0x12100] =	vst v63  }
0x6b: {  	_ =	swait.ge [sflag:s25], $0x280  }
0x6c: {  	[sflag:s25] =	ssyncset.done $0x0  }
0x6d: {  	[sflag:s25] =	ssyncadd.s32 $0xFFFFFD80  }
.LBB2_12:
0x6e: {  	s0 =	smul.u32 $0xA000, s25;
	_ =	sdelay $0x1  }
0x6f: {  	s0 =	sshra.s32 s0, $0x2  }
0x70: {  	s0 =	sadd.s32 s0, s10  }
0x71: {  	[tilespmem:s21], [sflag:$0x1] =	stream.strided.gather [spmem:s0], $0x280, s19, s18, $0x38;
	[tilespmem:$0x12100] =	vst v63  }
0x72: {  	_ =	swait.ge [sflag:s15], $0x280  }
0x73: {  	[sflag:s15] =	ssyncset.done $0x0  }
0x74: {  	s26 =	simm.s32 $0x0;
	[sflag:s15] =	ssyncadd.s32 $0xFFFFFD80  }
0x75: {  	s28 =	simm.s32 $0x40;
	v3 =	vld [tilespmem:s26+$0xEF00]  }
.LBB2_13:
0x76: {  	p2 =	sne.s32 s28, $0x9C0;
	v4 =	vld [tilespmem:s26+$0xF180];
	_ =	sdelay $0x1  }
.Ltmp8:
0x77: {  	(pc) =	sbr.rel @p2 .LBB2_13-.Ltmp8, $3  }
0x78: {  	_ =	sdelay $0x1  }
0x79: {  	s0 =	sshra.s32 s28, $0x2;
	v4 =	vmax.f32 v4, v3  }
0x7a: {  	s28 =	sadd.s32 $0x40, s28;
	v3 =	vld [tilespmem:s0+$0xEF00];
	[tilespmem:s26+$0xF180] =	vst v4;
	s26 =	smov.u32 s0  }
0x7b: {  	v4 =	vld [tilespmem:s26+$0xF180];
	s25 =	sadd.s32 $0x1, s25  }
0x7c: {  	p2 =	sne.s32 s25, $0x10  }
.Ltmp9:
0x7d: {  	_ = 	snop;
	(pc) =	sbr.rel @p2 .LBB2_12-.Ltmp9, $3  }
0x7e: {  	_ =	sdelay $0x1  }
0x7f: {  	v3 =	vmax.f32 v4, v3  }
0x80: {  	[tilespmem:s26+$0xF180] =	vst v3  }
.Ltmp10:
0x81: {  	(pc) =	sbr.rel @p1 .LBB2_19-.Ltmp10, $4  }
0x82: {  	[spmem:s11] =	stream.strided.scatter [tilespmem:s20], [sflag:$0x1], $0x280, s19, s18, $0x38;
	[tilespmem:$0x12100] =	vst v63  }
0x83: {  	_ =	swait.ge [sflag:s15], $0x280  }
0x84: {  	[sflag:s15] =	ssyncset.done $0x0  }
0x85: {  	[sflag:s15] =	ssyncadd.s32 $0xFFFFFD80  }
0x86: {  	s25 =	simm.s32 $0x40;
	s26 =	simm.s32 $0x0  }
.LBB2_17:
0x87: {  	p2 =	sne.s32 s25, $0x9FC0;
	[tilespmem:s26+$0x2800] =	vst v2;
	s0 =	smov.u32 s25;
	s25 =	sadd.s32 $0x40, s25  }
.Ltmp11:
0x88: {  	(pc) =	sbr.rel @p2 .LBB2_17-.Ltmp11, $2  }
0x89: {  	_ =	sdelay $0x2  }
0x8a: {  	s26 =	sshra.s32 s0, $0x2  }
0x8b: {  	[tilespmem:s26+$0x2800] =	vst v2  }
0x8c: {  	[spmem:s3] =	stream.linear.scatter [tilespmem:s22], [sflag:$0x1], $0x2800, $0x38;
	[tilespmem:$0x12100] =	vst v63  }
0x8d: {  	_ =	swait.ge [sflag:s15], $0x2800  }
0x8e: {  	[sflag:s15] =	ssyncset.done $0x0  }
0x8f: {  	[sflag:s15] =	ssyncadd.s32 $0xFFFFD800  }
.LBB2_19:
0x90: {  	s0 =	simm.s32 $0x0  }
0x91: {  	s0 =	smul.u32 $0x5000, s0;
	_ =	sdelay $0x1  }
0x92: {  	s25 =	simm.s32 $0x0;
	s0 =	sshra.s32 s0, $0x2  }
0x93: {  	s26 =	sand.u32 $0x380, s25;
	s0 =	sadd.s32 s0, s2  }
0x94: {  	[bflag:$0x0] =	sbarrier.arrive $0xFFFF;
	s29 =	simm.s32 $0x0;
	s0 =	sadd.s32 s26, s0  }
0x95: {  	[tilespmem:s25], [sflag:$0x1] =	stream.strided.gather [spmem:s0], $0x280, s19, s18, $0x38;
	[tilespmem:$0x12100] =	vst v63  }
0x96: {  	s28 =	simm.s32 $0x2;
	s29 =	smul.u32 $0x5000, s29;
	_ =	swait.ge [sflag:s15], $0x280  }
0x97: {  	s26 =	simm.s32 $0x80;
	s25 =	simm.s32 $0x280;
	[sflag:s15] =	ssyncset.done $0x0  }
.LBB2_20:
0x98: {  	s0 =	sshra.s32 s29, $0x2;
	[sflag:s15] =	ssyncadd.s32 $0xFFFFFD80  }
0x99: {  	s29 =	smov.u32 s28;
	s30 =	sadd.s32 $0x1, s28;
	p2 =	sne.s32 s28, $0xF  }
.Ltmp12:
0x9a: {  	s31 =	sand.u32 $0x380, s26;
	s0 =	sadd.s32 s0, s2;
	(pc) =	sbr.rel @p2 .LBB2_20-.Ltmp12, $4  }
0x9b: {  	s29 =	sshrl.u32 s29, $0x3;
	s0 =	sadd.s32 s31, s0  }
0x9c: {  	[tilespmem:s25], [sflag:$0x1] =	stream.strided.gather [spmem:s0], $0x280, s19, s18, $0x38;
	[tilespmem:$0x12100] =	vst v63  }
0x9d: {  	s26 =	sadd.s32 $0x80, s26;
	s29 =	smul.u32 $0x5000, s29;
	_ =	swait.ge [sflag:s15], $0x280  }
0x9e: {  	s28 =	smov.u32 s30;
	s25 =	sadd.s32 $0x280, s25;
	[sflag:s15] =	ssyncset.done $0x0  }
0x9f: {  	s0 =	sshra.s32 s29, $0x2  }
0xa0: {  	s26 =	sand.u32 $0x380, s26;
	s0 =	sadd.s32 s0, s2  }
0xa1: {  	[sflag:s15] =	ssyncadd.s32 $0xFFFFFD80;
	s0 =	sadd.s32 s26, s0  }
0xa2: {  	[tilespmem:s25], [sflag:$0x1] =	stream.strided.gather [spmem:s0], $0x280, s19, s18, $0x38;
	[tilespmem:$0x12100] =	vst v63  }
0xa3: {  	_ =	swait.ge [sflag:s15], $0x280  }
0xa4: {  	[sflag:s15] =	ssyncset.done $0x0  }
0xa5: {  	s25 =	simm.s32 $0x0;
	[sflag:s15] =	ssyncadd.s32 $0xFFFFFD80  }
0xa6: {  	v3 =	vld [tilespmem:s25+$0x7800];
	_ =	sdelay $0x6  }
0xa7: {  	s26 =	simm.s32 $0x0;
	v4 =	vld [tilespmem:s25+$0xC780]  }
0xa8: {  	v3 =	vld.idx.msk [tilespmem:v3+s26+$0x0], $0xffff;
	_ =	sdelay $0x4  }
0xa9: {  	v3 =	vsub.f32 v4, v3;
	_ =	sdelay $0x1  }
0xaa: {  	v3 =	vmul.f32 $1.442695020e+00, v3;
	_ =	sdelay $0x1  }
0xab: {  	(erf) = vpow2.f32 v3;
	_ =	sdelay $0x1  }
0xac: {  	s29 =	simm.s32 $0x10;
	s28 =	simm.s32 $0x80  }
.LBB2_22:
0xad: {  	p2 =	sne.s32 s28, $0x9DC0;
	v3 =	vld [tilespmem:s29+$0x7800];
	_ =	sdelay $0x5  }
0xae: {  	v4 =	vpop (erf)  }
0xaf: {  	[tilespmem:s25+$0xC780] =	vst v4;
	s25 =	smov.u32 s29  }
0xb0: {  	v3 =	vld.idx.msk [tilespmem:v3+s26+$0x0], $0xffff  }
0xb1: {  	v4 =	vld [tilespmem:s25+$0xC780];
	_ =	sdelay $0x4  }
0xb2: {  	v3 =	vsub.f32 v4, v3;
	_ =	sdelay $0x1  }
.Ltmp13:
0xb3: {  	v3 =	vmul.f32 $1.442695020e+00, v3;
	(pc) =	sbr.rel @p2 .LBB2_22-.Ltmp13, $3  }
0xb4: {  	_ = 	snop  }
0xb5: {  	(erf) = vpow2.f32 v3;
	_ =	sdelay $0x1  }
0xb6: {  	s29 =	sshra.s32 s28, $0x2;
	s28 =	sadd.s32 $0x40, s28  }
0xb7: {  	v3 =	vld [tilespmem:s29+$0x7800];
	_ =	sdelay $0x5  }
0xb8: {  	v4 =	vpop (erf)  }
0xb9: {  	s26 =	simm.s32 $0x0;
	[tilespmem:s25+$0xC780] =	vst v4  }
0xba: {  	v3 =	vld.idx.msk [tilespmem:v3+s26+$0x0], $0xffff  }
0xbb: {  	v4 =	vld [tilespmem:s29+$0xC780];
	_ =	sdelay $0x4  }
0xbc: {  	v3 =	vsub.f32 v4, v3;
	_ =	sdelay $0x1  }
0xbd: {  	v3 =	vmul.f32 $1.442695020e+00, v3;
	_ =	sdelay $0x1  }
0xbe: {  	(erf) = vpow2.f32 v3;
	_ =	sdelay $0x6  }
0xbf: {  	p2 =	por $0x1, $0x1  }
.Ltmp14:
0xc0: {  	_ = 	snop;
	(pc) =	sbr.rel @!p2 .LBB2_25-.Ltmp14, $4  }
0xc1: {  	v3 =	vpop (erf)  }
0xc2: {  	s0 =	simm.s32 $0xC780;
	s31 =	simm.s32 $0x9F80;
	[tilespmem:s29+$0xC780] =	vst v3  }
0xc3: {  	[spmem:s3] =	stream.indirect.scatter.add.f32 [tilespmem:s0], [sflag:$0x1], $0x1, s31, s18, $0xb8;
	[tilespmem:$0x12100] =	vst v63  }
0xc4: {  	s28 =	simm.s32 $0x200;
	s25 =	simm.s32 $0x0;
	_ =	swait.ge [sflag:s15], $0x80  }
.LBB2_24:
0xc5: {  	s0 =	sshra.s32 s28, $0x2  }
0xc6: {  	[sflag:s15] =	ssyncset.done $0x0;
	p2 =	sne.s32 s28, $0x9C00;
	s29 =	sadd.s32 $0xC780, s0  }
.Ltmp15:
0xc7: {  	s0 =	sadd.s32 $0x9F80, s0;
	[sflag:s15] =	ssyncadd.s32 $0xFFFFFF80;
	(pc) =	sbr.rel @p2 .LBB2_24-.Ltmp15, $3  }
0xc8: {  	[spmem:s3] =	stream.indirect.scatter.add.f32 [tilespmem:s29], [sflag:$0x1], $0x1, s0, s18, $0xb8;
	[tilespmem:$0x12100] =	vst v63  }
0xc9: {  	s28 =	sadd.s32 $0x200, s28;
	_ =	sdelay $0x1  }
0xca: {  	_ =	swait.ge [sflag:s15], $0x80  }
.LBB2_25:
0xcb: {  	[sflag:s15] =	ssyncset.done $0x0  }
0xcc: {  	[sflag:s15] =	ssyncadd.s32 $0xFFFFFF80  }
0xcd: {  	[bflag:$0x0] =	sbarrier.arrive $0xFFFF  }
0xce: {  	[tilespmem:s22], [sflag:$0x1] =	stream.linear.gather [spmem:s3], $0x2800, $0x38;
	[tilespmem:$0x12100] =	vst v63  }
0xcf: {  	_ =	swait.ge [sflag:s15], $0x2800  }
0xd0: {  	[sflag:s15] =	ssyncset.done $0x0  }
0xd1: {  	[sflag:s15] =	ssyncadd.s32 $0xFFFFD800  }
0xd2: {  	[tilespmem:s23], [sflag:$0x1] =	stream.linear.gather [hbm4b:s1+s26], $0x2710, $0x38;
	[tilespmem:$0x12100] =	vst v63  }
0xd3: {  	_ =	swait.ge [sflag:s15], $0x2710  }
0xd4: {  	[sflag:s15] =	ssyncset.done $0x0  }
0xd5: {  	[sflag:s15] =	ssyncadd.s32 $0xFFFFD8F0  }
0xd6: {  	v3 =	vld [tilespmem:s25+$0x7800];
	_ =	sdelay $0x7  }
0xd7: {  	v4 =	vld.idx.msk [tilespmem:v3+s22+$0x0], $0xffff;
	_ =	sdelay $0x4  }
0xd8: {  	(erf) = vrcp.f32 v4;
	_ =	sdelay $0x1  }
0xd9: {  	v3 =	vld.idx.msk [tilespmem:v3+s23+$0x0], $0xffff  }
0xda: {  	v4 =	vld [tilespmem:s25+$0xC780]  }
0xdb: {  	s28 =	simm.s32 $0x10;
	s26 =	simm.s32 $0x80  }
.LBB2_26:
0xdc: {  	p2 =	sne.s32 s26, $0x9DC0;
	v5 =	vld [tilespmem:s28+$0x7800];
	_ =	sdelay $0x2  }
0xdd: {  	v3 =	vmul.f32 v4, v3  }
0xde: {  	v4 =	vpop (erf)  }
0xdf: {  	v3 =	vmul.f32 v3, v4;
	_ =	sdelay $0x1  }
0xe0: {  	[tilespmem:s25+$0xC780] =	vst v3;
	s25 =	smov.u32 s28  }
0xe1: {  	v3 =	vld.idx.msk [tilespmem:v5+s22+$0x0], $0xffff;
	_ =	sdelay $0x5  }
.Ltmp16:
0xe2: {  	(erf) = vrcp.f32 v3;
	(pc) =	sbr.rel @p2 .LBB2_26-.Ltmp16, $4  }
0xe3: {  	_ = 	snop  }
0xe4: {  	v3 =	vld.idx.msk [tilespmem:v5+s23+$0x0], $0xffff  }
0xe5: {  	v4 =	vld [tilespmem:s25+$0xC780]  }
0xe6: {  	s28 =	sshra.s32 s26, $0x2;
	s26 =	sadd.s32 $0x40, s26  }
0xe7: {  	v5 =	vld [tilespmem:s28+$0x7800];
	_ =	sdelay $0x2  }
0xe8: {  	v3 =	vmul.f32 v4, v3  }
0xe9: {  	v61 =	vpop (erf)  }
0xea: {  	v3 =	vmul.f32 v3, v61;
	_ =	sdelay $0x1  }
0xeb: {  	[tilespmem:s25+$0xC780] =	vst v3  }
0xec: {  	v3 =	vld.idx.msk [tilespmem:v5+s22+$0x0], $0xffff;
	_ =	sdelay $0x4  }
0xed: {  	(erf) = vrcp.f32 v3;
	_ =	sdelay $0x1  }
0xee: {  	v62 =	vld [tilespmem:s28+$0xC780]  }
0xef: {  	v3 =	vld.idx.msk [tilespmem:v5+s23+$0x0], $0xffff;
	_ =	sdelay $0x4  }
0xf0: {  	v3 =	vmul.f32 v62, v3  }
0xf1: {  	v63 =	vpop (erf)  }
0xf2: {  	v3 =	vmul.f32 v3, v63;
	_ =	sdelay $0x1  }
.Ltmp17:
0xf3: {  	[tilespmem:s28+$0xC780] =	vst v3;
	(pc) =	sbr.rel .LBB2_28-.Ltmp17, $4  }
0xf4: {  	[hbm4b:s12+s4] =	stream.linear.scatter [tilespmem:s14], [sflag:$0x1], $0x2780, $0x38;
	[tilespmem:$0x12100] =	vst v63  }
0xf5: {  	_ =	swait.ge [sflag:s15], $0x2780  }
0xf6: {  	[sflag:s15] =	ssyncset.done $0x0  }
0xf7: {  	[sflag:s15] =	ssyncadd.s32 $0xFFFFD880  }
.LBB2_29:
0xf8: {  	_ =	sfence.sel $0x180000  }
0xf9: {  	[bflag:$0x0] =	sbarrier.arrive $0xFFFF  }
0xfa: {  	_ =	strace $0x9000004A  }
0xfb: {  	[bflag:$0x2] =	sbarrier.arrive $0xFFFF  }
0xfc: {  	s0 =	rddreg [dreg:$0x5]  }
0xfd: {  	s0 =	sadd.s32 @!p1 $0x100000, s0  }
0xfe: {  	[sflag:s0] =	ssyncadd.tile.s32 @!p1 $0x1;
	_ =	shalt  }
.Lfunc_end2:
_tile_overlayer_lowered:
.L_overlay_start_2:
0xff: {  	(tag) =	ssettag $0x2  }
0x100: {  	s0 =	rddreg [dreg:$0x0];
	s2 =	stileid.u32  }
0x101: {  	s1 =	rddreg [dreg:$0x1];
	p0 =	sne.s32 s2, $0x0  }
0x102: {  	s3 =	rddreg [dreg:$0x2];
	[bflag:$0x3] =	sbarrier.arrive $0xFFFF;
	s2 =	simm.s32 @!p0 $0x1C01  }
0x103: {  	[timem:s3], [sflag:s2] =	dma.local @!p0 [hbm:s0], s1  }
0x104: {  	s0 =	simm.s32 @!p0 $0x1  }
0x105: {  	_ =	swait.ge @!p0 [sflag:s0], s1  }
0x106: {  	s1 =	ssub.s32 @!p0 $0x0, s1;
	[sflag:s0] =	ssyncset.done @!p0 $0x0  }
0x107: {  	[sflag:s0] =	ssyncadd.s32 @!p0 s1  }
0x108: {  	[bflag:$0x3] =	sbarrier.arrive $0xFFFF  }
0x109: {  	_ =	shalt  }

// kernel: kernel.13.cloned.1.call-start
scs
__scs_entry_jumppad:
0x0: {  	(pc) =	sbr.rel $0x88, $3  }
0x1: {  	(tag) =	ssettag $0x0;
	lr =	simm.s32 $0x1  }
0x2: {  	[smem:$0x3F94] =	sst lr;
	_ =	strace $0xD0000000  }
0x3: {  	_ = 	snop  }
0x4: {  	_ = 	snop  }
0x5: {  	_ = 	snop  }
0x6: {  	_ = 	snop  }
0x7: {  	_ = 	snop  }
__scs_overlays_trampoline_lowered:
0x8: {  	[smem:$0x3FA3] =	sst s0  }
0x9: {  	[smem:$0x3FA4] =	sst s1  }
0xa: {  	[smem:$0x3FA5] =	sst s2  }
0xb: {  	[smem:$0x3FA6] =	sst s3  }
0xc: {  	[smem:$0x3FA7] =	sst s4  }
0xd: {  	[smem:$0x3FA8] =	sst s5  }
0xe: {  	[smem:$0x3FA9] =	sst s6  }
0xf: {  	[smem:$0x3FAA] =	sst s7  }
0x10: {  	[smem:$0x3FAB] =	sst s8  }
0x11: {  	[smem:$0x3FAC] =	sst s9;
	s0 =	simm.s32 @!p0 $0x0  }
0x12: {  	s1 =	sld [smem:$0x3F92];
	s0 =	simm.s32 @p0 $0x1  }
0x13: {  	[smem:$0x3FAD] =	sst s0;
	s0 =	simm.s32 @!p1 $0x0  }
0x14: {  	s2 =	sld [smem:$0x3F91];
	s0 =	simm.s32 @p1 $0x1  }
0x15: {  	[smem:$0x3FAE] =	sst s0;
	s0 =	simm.s32 @!p2 $0x0  }
0x16: {  	s3 =	sld [smem:$0x3FDB];
	s0 =	simm.s32 @p2 $0x1  }
0x17: {  	s4 =	simm.s32 $0x1BF5;
	[smem:$0x3FB0] =	sst s0  }
0x18: {  	s0 =	sld [smem:$0x3F93];
	_ =	swait.ge [sflag:s4], $0x0  }
0x19: {  	s7 =	sld [smem:$0x3F94]  }
0x1a: {  	s8 =	sadd.s32 $0xFFFFE003, lr  }
0x1b: {  	s9 =	sadd.s32 $0xFFFFFEF7, lr;
	s5 =	simm.s32 $0xFFFFFFFF;
	p2 =	slt.u32 s8, $0xFFFFF086  }
0x1c: {  	p1 =	slt.u32 s9, $0xF7A;
	s5 =	simm.s32 @!p2 $0x0  }
0x1d: {  	s5 =	simm.s32 @p1 $0x1;
	p0 =	seq.s32 s7, s2  }
0x1e: {  	s7 =	smul.u32 @!p0 $0xF7A, s2;
	p2 =	seq.s32 @!p0 s5, $0x0  }
0x1f: {  	s9 =	smul.u32 $0xF7A, s1;
	s8 =	simm.s32 @!p0 $0x1BF5;
	p2 =	por !p2, p0  }
0x20: {  	[sflag:s8] =	ssyncset.s32 @!p0 $0xFFFFF086;
	s6 =	sadd.s32 @!p0 s3, s7;
	s7 =	simm.s32 @!p0 $0x108  }
0x21: {  	s3 =	sadd.s32 s3, s9;
	s6 =	sadd.s32 @!p0 $0x88, s6;
	s7 =	simm.s32 @p2 $0x1082  }
0x22: {  	[simem:s7], [sflag:s8] =	dma.local @!p0 [hbm:s6], $0xF7A  }
0x23: {  	s9 =	sor.u32 $0xD0000000, s2;
	s6 =	simm.s32 $0x108;
	_ =	swait.ge @!p0 [sflag:s8], $0x0  }
0x24: {  	s3 =	sadd.s32 $0x88, s3;
	s6 =	simm.s32 @!p1 $0x1082;
	[sflag:s4] =	ssyncset.s32 $0xFFFFF086  }
0x25: {  	[simem:s6], [sflag:s4] =	dma.local [hbm:s3], $0xF7A  }
0x26: {  	[smem:$0x3F94] =	sst s1;
	(tag) =	ssettag s2;
	_ =	strace s9  }
0x27: {  	s1 =	sld [smem:$0x3FA4]  }
0x28: {  	s2 =	sld [smem:$0x3FA5]  }
0x29: {  	s4 =	sld [smem:$0x3FA7]  }
0x2a: {  	p0 =	seq.s32 s5, $0x0;
	s5 =	sld [smem:$0x3FA8]  }
0x2b: {  	s6 =	sld [smem:$0x3FA9]  }
0x2c: {  	s7 =	sld [smem:$0x3FAA]  }
0x2d: {  	s3 =	simm.s32 $0x108;
	s8 =	sld [smem:$0x3FAB]  }
0x2e: {  	s3 =	simm.s32 @!p0 $0x1082;
	s9 =	sld [smem:$0x3FAC]  }
0x2f: {  	lr =	sadd.s32 s0, s3;
	s0 =	sld [smem:$0x3FA3]  }
0x30: {  	s3 =	sld [smem:$0x3FA6]  }
0x31: {  	[smem:$0x3FAF] =	sst s10  }
0x32: {  	s10 =	sld [smem:$0x3FAD];
	_ =	sdelay $0x3  }
0x33: {  	p0 =	seq.s32 s10, $0x1;
	s10 =	sld [smem:$0x3FAF];
	_ =	sdelay $0x3  }
0x34: {  	[smem:$0x3FAF] =	sst s10  }
0x35: {  	s10 =	sld [smem:$0x3FAE];
	_ =	sdelay $0x3  }
0x36: {  	p1 =	seq.s32 s10, $0x1;
	s10 =	sld [smem:$0x3FAF];
	_ =	sdelay $0x3  }
0x37: {  	[smem:$0x3FAF] =	sst s10  }
0x38: {  	s10 =	sld [smem:$0x3FB0]  }
0x39: {  	_ = 	snop;
	(pc) =	sbr.ind lr, $3  }
0x3a: {  	_ = 	snop  }
0x3b: {  	_ = 	snop  }
0x3c: {  	p2 =	seq.s32 s10, $0x1;
	s10 =	sld [smem:$0x3FAF]  }
0x3d: {  	_ =	shalt  }
0x3e: {  	_ =	shalt  }
0x3f: {  	_ =	shalt  }
0x40: {  	_ =	shalt  }
0x41: {  	_ =	shalt  }
0x42: {  	_ =	shalt  }
0x43: {  	_ =	shalt  }
0x44: {  	_ =	shalt  }
0x45: {  	_ =	shalt  }
0x46: {  	_ =	shalt  }
0x47: {  	_ =	shalt  }
0x48: {  	_ =	shalt  }
0x49: {  	_ =	shalt  }
0x4a: {  	_ =	shalt  }
0x4b: {  	_ =	shalt  }
0x4c: {  	_ =	shalt  }
0x4d: {  	_ =	shalt  }
0x4e: {  	_ =	shalt  }
0x4f: {  	_ =	shalt  }
0x50: {  	_ =	shalt  }
0x51: {  	_ =	shalt  }
0x52: {  	_ =	shalt  }
0x53: {  	_ =	shalt  }
0x54: {  	_ =	shalt  }
0x55: {  	_ =	shalt  }
0x56: {  	_ =	shalt  }
0x57: {  	_ =	shalt  }
0x58: {  	_ =	shalt  }
0x59: {  	_ =	shalt  }
0x5a: {  	_ =	shalt  }
0x5b: {  	_ =	shalt  }
0x5c: {  	_ =	shalt  }
0x5d: {  	_ =	shalt  }
0x5e: {  	_ =	shalt  }
0x5f: {  	_ =	shalt  }
0x60: {  	_ =	shalt  }
0x61: {  	_ =	shalt  }
0x62: {  	_ =	shalt  }
0x63: {  	_ =	shalt  }
0x64: {  	_ =	shalt  }
0x65: {  	_ =	shalt  }
0x66: {  	_ =	shalt  }
0x67: {  	_ =	shalt  }
0x68: {  	_ =	shalt  }
0x69: {  	_ =	shalt  }
0x6a: {  	_ =	shalt  }
0x6b: {  	_ =	shalt  }
0x6c: {  	_ =	shalt  }
0x6d: {  	_ =	shalt  }
0x6e: {  	_ =	shalt  }
0x6f: {  	_ =	shalt  }
0x70: {  	_ =	shalt  }
0x71: {  	_ =	shalt  }
0x72: {  	_ =	shalt  }
0x73: {  	_ =	shalt  }
0x74: {  	_ =	shalt  }
0x75: {  	_ =	shalt  }
0x76: {  	_ =	shalt  }
0x77: {  	_ =	shalt  }
0x78: {  	_ =	shalt  }
0x79: {  	_ =	shalt  }
0x7a: {  	_ =	shalt  }
0x7b: {  	_ =	shalt  }
0x7c: {  	_ =	shalt  }
0x7d: {  	_ =	shalt  }
0x7e: {  	_ =	shalt  }
0x7f: {  	_ =	shalt  }
0x80: {  	_ =	shalt  }
0x81: {  	_ =	shalt  }
0x82: {  	_ =	shalt  }
0x83: {  	_ =	shalt  }
0x84: {  	_ =	shalt  }
0x85: {  	_ =	shalt  }
0x86: {  	_ =	shalt  }
0x87: {  	_ =	shalt  }
.Lfunc_end0:
.L_simem_size_0:
called_computation.2_lowered:
.L_overlay_start_0:
0x88: {  	s2 =	sld [smem:$0x3FD9]  }
0x89: {  	s3 =	sld [smem:$0x3FFE];
	_ =	sdelay $0x1  }
0x8a: {  	s1 =	srdreg.scid  }
0x8b: {  	s0 =	sand.u32 $0x1, s1  }
0x8c: {  	s14 =	sshll.u32 s0, $0xA;
	s2 =	sadd.s32 s3, s2  }
0x8d: {  	s2 =	sadd.s32 s2, s14  }
0x8e: {  	[smem:$0x3FBB] =	sst s2  }
0x8f: {  	_ = 	snop  }
0x90: {  	s2 =	sld [smem:$0x3FD0];
	_ =	sdelay $0x2  }
0x91: {  	s15 =	simm.s32 $0xA;
	s4 =	simm.s32 $0x10  }
0x92: {  	[smem:s4], [sflag:s15] =	dma.local [hbm:s2], $0x1  }
0x93: {  	_ =	swait.eq [sflag:s15], $0x1  }
0x94: {  	[sflag:s15] =	ssyncset.done $0x0  }
0x95: {  	[sflag:s15] =	ssyncadd.s32 $0xFFFFFFFF  }
0x96: {  	s16 =	sld [smem:$0x10];
	(tm) =	ssettm $0x1  }
0x97: {  	s17 =	sld [smem:$0x3FFB];
	_ =	sdelay $0x3  }
0x98: {  	_ =	strace s17  }
0x99: {  	s3 =	sld [smem:$0x3FFC];
	_ =	sdelay $0x3  }
0x9a: {  	_ =	strace s3  }
0x9b: {  	s3 =	sld [smem:$0x3FFD];
	_ =	sdelay $0x3  }
0x9c: {  	_ =	strace s3  }
0x9d: {  	_ =	strace $0x8FFFFFFF  }
0x9e: {  	s18 =	sld [smem:$0x3FDB];
	_ =	sdelay $0x1  }
0x9f: {  	s19 =	simm.s32 $_scs_section_size  }
0xa0: {  	s5 =	simm.s32 $_size__tile_overlayer_lowered;
	s6 =	simm.s32 $_tile_overlayer_lowered  }
0xa1: {  	s22 =	simm.s32 $0x1BFF;
	s21 =	sshll.u32 s6, $0x1;
	s3 =	sadd.s32 s19, s18  }
0xa2: {  	s7 =	simm.s32 $0x0;
	s20 =	sshll.u32 s5, $0x1;
	s5 =	sadd.s32 s21, s3  }
0xa3: {  	[timem:s7], [sflag:s22] =	dma.local [hbm:s5], s20  }
0xa4: {  	_ =	swait.ge [sflag:s22], s20  }
0xa5: {  	s4 =	ssub.s32 $0x0, s20;
	[sflag:s22] =	ssyncset.done $0x0  }
0xa6: {  	[sflag:s22] =	ssyncadd.s32 s4;
	_ =	sdelay $0x1  }
0xa7: {  	s23 =	simm.s32 $0x1B8B  }
0xa8: {  	_ =	swait.ge [sflag:s23], $0x1  }
0xa9: {  	[sflag:s23] =	ssyncset.done $0x0  }
0xaa: {  	s25 =	simm.s32 $0x1B8E;
	s24 =	sld [smem:$0x3FFE];
	[sflag:s23] =	ssyncadd.s32 $0xFFFFFFFF  }
0xab: {  	s26 =	simm.s32 $execute0_lowered;
	[smem:$0x3FD2] =	sst s25  }
0xac: {  	s5 =	sshll.u32 s26, $0x1;
	_ =	strace $0x8000004C;
	[dreg:$0x1] =	wrdreg $0xFFFFFFFF  }
0xad: {  	s28 =	simm.s32 $_size_execute0_lowered;
	s3 =	sadd.s32 s3, s5;
	[dreg:$0x0] =	wrdreg $0x0  }
0xae: {  	s5 =	sshll.u32 s28, $0x1;
	[dreg:$0x2] =	wrdreg s3  }
0xaf: {  	[dreg:$0x3] =	wrdreg s5  }
0xb0: {  	[dreg:$0x4] =	wrdreg $0xC0  }
0xb1: {  	_ =	task [dreg:s7], $0x5FFFF  }
0xb2: {  	[dreg:$0x1] =	wrdreg $0xFFFFFFFF  }
0xb3: {  	[dreg:$0x0] =	wrdreg $0x60  }
0xb4: {  	[dreg:$0x2] =	wrdreg s24  }
0xb5: {  	[dreg:$0x3] =	wrdreg s16  }
0xb6: {  	[dreg:$0x4] =	wrdreg $0x48800  }
0xb7: {  	[dreg:$0x5] =	wrdreg $0x9  }
0xb8: {  	_ =	task.clear_ibuf [dreg:s7], $0x6FFFF;
	_ =	strace $0x9000004C  }
0xb9: {  	s29 =	simm.s32 $0x9;
	_ =	strace $0x8000004E  }
0xba: {  	_ =	swait.ge [sflag:s29], $0x1  }
0xbb: {  	[sflag:s29] =	ssyncadd.s32 $0xFFFFFFFF  }
0xbc: {  	_ =	strace $0x9000004E  }
0xbd: {  	_ =	sfence  }
0xbe: {  	s30 =	sld [smem:$0x0];
	_ =	sdelay $0x2  }
0xbf: {  	s31 =	sshll.u32 s1, $0xD;
	s1 =	sshrl.u32 s1, $0x2  }
0xc0: {  	s3 =	sand.u32 $0x4000, s31;
	s1 =	sadd.s32 s1, s30  }
0xc1: {  	s0 =	sor.u32 s3, s0;
	s1 =	sshll.u32 s1, $0x11  }
0xc2: {  	s0 =	sor.u32 s1, s0  }
0xc3: {  	s0 =	sadd.s32 $0x8F2B, s0  }
0xc4: {  	[sflag:s0] =	ssyncadd.remote.s32 $0x1  }
0xc5: {  	_ =	sfence.sel $0xFFFF  }
0xc6: {  	[dreg:$0x0] =	wrdreg $0xFFFFFFFF;
	(pc) =	sbr.abs _section_cstart, $3  }
0xc7: {  	[dreg:$0x1] =	wrdreg $0xFFFFFFFF  }
0xc8: {  	_ =	task.clear_ibuf [dreg:s7], $0x2FFFF;
	_ =	strace $0x9FFFFFFF  }
0xc9: {  	(tm) =	ssettm $0x7FFFFFFF  }
tec
execute0_lowered:
.L_overlay_start_1:
0x0: {  	(tag) =	ssettag $0x1  }
0x1: {  	s0 =	srdreg.scid  }
0x2: {  	s4 =	sand.u32 $0x1, s0;
	s0 =	stileid.u32  }
0x3: {  	s5 =	sshll.u32 s0, $0x1;
	s7 =	ssub.s32 $0x0, s4  }
0x4: {  	p0 =	sne.s32 s5, s7  }
.Ltmp0:
0x5: {  	_ = 	snop;
	(pc) =	sbr.rel @p0 .LBB2_7-.Ltmp0, $4  }
0x6: {  	s6 =	rddreg [dreg:$0x0]  }
0x7: {  	s2 =	rddreg [dreg:$0x1]  }
0x8: {  	s3 =	rddreg [dreg:$0x2]  }
0x9: {  	s1 =	rddreg [dreg:$0x3];
	_ =	strace $0x8000004D  }
0xa: {  	s7 =	ssub.s32 $0x2, s4;
	s4 =	sadd.s32 $0x6800, s6;
	s5 =	sadd.s32 $0x6A00, s6  }
0xb: {  	s6 =	sadd.s32 $0x1800, s6;
	s9 =	simm.s32 $0x2;
	s10 =	simm.s32 $0x1000  }
0xc: {  	s11 =	simm.s32 $0x2080;
	s12 =	simm.s32 $0x80;
	s8 =	sshrl.u32 s7, $0x1  }
0xd: {  	s13 =	simm.s32 $0x2000;
	s14 =	simm.s32 $0x1;
	s7 =	ssub.s32 s7, s8  }
0xe: {  	v0 =	vimm.f32 $0.0e+00;
	s15 =	simm.s32 $0x0;
	s8 =	simm.s32 $0x0;
	s7 =	smax.u32 s7, $0x1  }
.LBB2_2:
0xf: {  	[tilespmem:s8], [sflag:$0x2] =	stream.linear.gather [hbm4b:s4+s8], $0x1000, $0x38;
	[tilespmem:$0x4B00] =	vst v63  }
0x10: {  	_ =	swait.ge [sflag:s9], $0x1000  }
0x11: {  	[sflag:s9] =	ssyncset.done $0x0  }
0x12: {  	[sflag:s9] =	ssyncadd.s32 $0xFFFFF000  }
0x13: {  	[tilespmem:s10], [sflag:$0x2] =	stream.linear.gather [hbm4b:s5+s8], $0x1000, $0x38;
	[tilespmem:$0x4B00] =	vst v63  }
0x14: {  	_ =	swait.ge [sflag:s9], $0x1000  }
0x15: {  	[sflag:s9] =	ssyncset.done $0x0  }
0x16: {  	s16 =	simm.s32 $0x40;
	s17 =	simm.s32 $0x0;
	[sflag:s9] =	ssyncadd.s32 $0xFFFFF000  }
.LBB2_3:
0x17: {  	p0 =	sne.s32 s16, $0x9FC0;
	[tilespmem:s17+$0x2080] =	vst v0;
	s17 =	smov.u32 s16;
	s16 =	sadd.s32 $0x40, s16  }
.Ltmp1:
0x18: {  	(pc) =	sbr.rel @p0 .LBB2_3-.Ltmp1, $2  }
0x19: {  	_ =	sdelay $0x2  }
0x1a: {  	s17 =	sshra.s32 s17, $0x2  }
0x1b: {  	[tilespmem:s17+$0x2080] =	vst v0  }
0x1c: {  	[spmem:s3] =	stream.linear.scatter [tilespmem:s11], [sflag:$0x2], $0x2800, $0x38;
	[tilespmem:$0x4B00] =	vst v63  }
0x1d: {  	_ =	swait.ge [sflag:s9], $0x2800  }
0x1e: {  	[sflag:s9] =	ssyncset.done $0x0  }
0x1f: {  	s16 =	simm.s32 $0x0;
	[sflag:s9] =	ssyncadd.s32 $0xFFFFD800  }
0x20: {  	[tilespmem:s13], [sflag:$0x1] =	stream.indirect.gather [hbm4b:s6+s12], $0x1, s16, s12, $0xb8;
	[tilespmem:$0x4B00] =	vst v63  }
0x21: {  	_ =	swait.ge [sflag:s14], $0x80  }
0x22: {  	[sflag:s14] =	ssyncset.done $0x0  }
0x23: {  	s31 =	simm.s32 $0x1000;
	[sflag:s14] =	ssyncadd.s32 $0xFFFFFF80  }
0x24: {  	[spmem:s3] =	stream.indirect.scatter.add.f32 [tilespmem:s31], [sflag:$0x2], $0x1, s13, s12, $0xb8;
	[tilespmem:$0x4B00] =	vst v63  }
0x25: {  	_ =	swait.ge [sflag:s9], $0x80  }
0x26: {  	s17 =	simm.s32 $0x400;
	s16 =	simm.s32 $0x200;
	[sflag:s9] =	ssyncset.done $0x0  }
.LBB2_5:
0x27: {  	s18 =	sshra.s32 s16, $0x2  }
0x28: {  	[sflag:s9] =	ssyncadd.s32 $0xFFFFFF80;
	s16 =	smov.u32 s17;
	s19 =	sadd.s32 $0x200, s17  }
0x29: {  	[tilespmem:s13], [sflag:$0x1] =	stream.indirect.gather [hbm4b:s6+s12], $0x1, s18, s12, $0xb8;
	[tilespmem:$0x4B00] =	vst v63  }
0x2a: {  	p0 =	sne.s32 s17, $0x3E00;
	_ =	swait.ge [sflag:s14], $0x80  }
.Ltmp2:
0x2b: {  	[sflag:s14] =	ssyncset.done $0x0;
	(pc) =	sbr.rel @p0 .LBB2_5-.Ltmp2, $4  }
0x2c: {  	s17 =	sadd.s32 $0x1000, s18;
	[sflag:s14] =	ssyncadd.s32 $0xFFFFFF80  }
0x2d: {  	[spmem:s3] =	stream.indirect.scatter.add.f32 [tilespmem:s17], [sflag:$0x2], $0x1, s13, s12, $0xb8;
	[tilespmem:$0x4B00] =	vst v63  }
0x2e: {  	_ =	swait.ge [sflag:s9], $0x80  }
0x2f: {  	s17 =	smov.u32 s19;
	[sflag:s9] =	ssyncset.done $0x0  }
0x30: {  	s16 =	sshra.s32 s16, $0x2;
	[sflag:s9] =	ssyncadd.s32 $0xFFFFFF80  }
0x31: {  	[tilespmem:s13], [sflag:$0x1] =	stream.indirect.gather [hbm4b:s6+s12], $0x1, s16, s12, $0xb8;
	[tilespmem:$0x4B00] =	vst v63  }
0x32: {  	_ =	swait.ge [sflag:s14], $0x80  }
0x33: {  	[sflag:s14] =	ssyncset.done $0x0  }
0x34: {  	s16 =	sadd.s32 $0x1000, s16;
	[sflag:s14] =	ssyncadd.s32 $0xFFFFFF80  }
0x35: {  	[spmem:s3] =	stream.indirect.scatter.add.f32 [tilespmem:s16], [sflag:$0x2], $0x1, s13, s12, $0xb8;
	[tilespmem:$0x4B00] =	vst v63  }
0x36: {  	_ =	swait.ge [sflag:s9], $0x80  }
0x37: {  	[sflag:s9] =	ssyncset.done $0x0  }
0x38: {  	[sflag:s9] =	ssyncadd.s32 $0xFFFFFF80  }
0x39: {  	[tilespmem:s11], [sflag:$0x2] =	stream.linear.gather [spmem:s3], $0x2800, $0x38;
	[tilespmem:$0x4B00] =	vst v63  }
0x3a: {  	s15 =	sadd.s32 $0x1, s15;
	_ =	swait.ge [sflag:s9], $0x2800  }
0x3b: {  	p0 =	sne.s32 s15, s7;
	[sflag:s9] =	ssyncset.done $0x0  }
.Ltmp3:
0x3c: {  	[sflag:s9] =	ssyncadd.s32 $0xFFFFD800;
	(pc) =	sbr.rel @p0 .LBB2_2-.Ltmp3, $4  }
0x3d: {  	[hbm4b:s2+s8] =	stream.linear.scatter [tilespmem:s11], [sflag:$0x2], $0x2710, $0x38;
	[tilespmem:$0x4B00] =	vst v63  }
0x3e: {  	_ =	swait.ge [sflag:s9], $0x2710  }
0x3f: {  	[sflag:s9] =	ssyncset.done $0x0  }
0x40: {  	[sflag:s9] =	ssyncadd.s32 $0xFFFFD8F0  }
.LBB2_7:
0x41: {  	_ =	sfence.sel $0x180000  }
0x42: {  	[bflag:$0x0] =	sbarrier.arrive $0xFFFF  }
0x43: {  	p0 =	sne.s32 s0, $0x0;
	_ =	strace $0x9000004D  }
0x44: {  	s0 =	sadd.s32 @!p0 $0x100000, s1;
	[bflag:$0x2] =	sbarrier.arrive $0xFFFF  }
0x45: {  	[sflag:s0] =	ssyncadd.tile.s32 @!p0 $0x1;
	_ =	shalt  }
.Lfunc_end2:
_tile_overlayer_lowered:
.L_overlay_start_2:
0x46: {  	(tag) =	ssettag $0x2  }
0x47: {  	s0 =	rddreg [dreg:$0x0];
	s2 =	stileid.u32  }
0x48: {  	s1 =	rddreg [dreg:$0x1];
	p0 =	sne.s32 s2, $0x0  }
0x49: {  	s3 =	rddreg [dreg:$0x2];
	[bflag:$0x3] =	sbarrier.arrive $0xFFFF;
	s2 =	simm.s32 @!p0 $0x1C02  }
0x4a: {  	[timem:s3], [sflag:s2] =	dma.local @!p0 [hbm:s0], s1  }
0x4b: {  	s0 =	simm.s32 @!p0 $0x2  }
0x4c: {  	_ =	swait.ge @!p0 [sflag:s0], s1  }
0x4d: {  	s1 =	ssub.s32 @!p0 $0x0, s1;
	[sflag:s0] =	ssyncset.done @!p0 $0x0  }
0x4e: {  	[sflag:s0] =	ssyncadd.s32 @!p0 s1  }
0x4f: {  	[bflag:$0x3] =	sbarrier.arrive $0xFFFF  }
0x50: {  	_ =	shalt  }

// kernel: kernel.7.cloned.1.call-start
scs
__scs_entry_jumppad:
0x0: {  	(pc) =	sbr.rel $0x88, $3  }
0x1: {  	(tag) =	ssettag $0x0;
	lr =	simm.s32 $0x1  }
0x2: {  	[smem:$0x3F94] =	sst lr;
	_ =	strace $0xD0000000  }
0x3: {  	_ = 	snop  }
0x4: {  	_ = 	snop  }
0x5: {  	_ = 	snop  }
0x6: {  	_ = 	snop  }
0x7: {  	_ = 	snop  }
__scs_overlays_trampoline_lowered:
0x8: {  	[smem:$0x3FA3] =	sst s0  }
0x9: {  	[smem:$0x3FA4] =	sst s1  }
0xa: {  	[smem:$0x3FA5] =	sst s2  }
0xb: {  	[smem:$0x3FA6] =	sst s3  }
0xc: {  	[smem:$0x3FA7] =	sst s4  }
0xd: {  	[smem:$0x3FA8] =	sst s5  }
0xe: {  	[smem:$0x3FA9] =	sst s6  }
0xf: {  	[smem:$0x3FAA] =	sst s7  }
0x10: {  	[smem:$0x3FAB] =	sst s8  }
0x11: {  	[smem:$0x3FAC] =	sst s9;
	s0 =	simm.s32 @!p0 $0x0  }
0x12: {  	s1 =	sld [smem:$0x3F92];
	s0 =	simm.s32 @p0 $0x1  }
0x13: {  	[smem:$0x3FAD] =	sst s0;
	s0 =	simm.s32 @!p1 $0x0  }
0x14: {  	s2 =	sld [smem:$0x3F91];
	s0 =	simm.s32 @p1 $0x1  }
0x15: {  	[smem:$0x3FAE] =	sst s0;
	s0 =	simm.s32 @!p2 $0x0  }
0x16: {  	s3 =	sld [smem:$0x3FDB];
	s0 =	simm.s32 @p2 $0x1  }
0x17: {  	s4 =	simm.s32 $0x1BF5;
	[smem:$0x3FB0] =	sst s0  }
0x18: {  	s0 =	sld [smem:$0x3F93];
	_ =	swait.ge [sflag:s4], $0x0  }
0x19: {  	s7 =	sld [smem:$0x3F94]  }
0x1a: {  	s8 =	sadd.s32 $0xFFFFE003, lr  }
0x1b: {  	s9 =	sadd.s32 $0xFFFFFEF7, lr;
	s5 =	simm.s32 $0xFFFFFFFF;
	p2 =	slt.u32 s8, $0xFFFFF086  }
0x1c: {  	p1 =	slt.u32 s9, $0xF7A;
	s5 =	simm.s32 @!p2 $0x0  }
0x1d: {  	s5 =	simm.s32 @p1 $0x1;
	p0 =	seq.s32 s7, s2  }
0x1e: {  	s7 =	smul.u32 @!p0 $0xF7A, s2;
	p2 =	seq.s32 @!p0 s5, $0x0  }
0x1f: {  	s9 =	smul.u32 $0xF7A, s1;
	s8 =	simm.s32 @!p0 $0x1BF5;
	p2 =	por !p2, p0  }
0x20: {  	[sflag:s8] =	ssyncset.s32 @!p0 $0xFFFFF086;
	s6 =	sadd.s32 @!p0 s3, s7;
	s7 =	simm.s32 @!p0 $0x108  }
0x21: {  	s3 =	sadd.s32 s3, s9;
	s6 =	sadd.s32 @!p0 $0x88, s6;
	s7 =	simm.s32 @p2 $0x1082  }
0x22: {  	[simem:s7], [sflag:s8] =	dma.local @!p0 [hbm:s6], $0xF7A  }
0x23: {  	s9 =	sor.u32 $0xD0000000, s2;
	s6 =	simm.s32 $0x108;
	_ =	swait.ge @!p0 [sflag:s8], $0x0  }
0x24: {  	s3 =	sadd.s32 $0x88, s3;
	s6 =	simm.s32 @!p1 $0x1082;
	[sflag:s4] =	ssyncset.s32 $0xFFFFF086  }
0x25: {  	[simem:s6], [sflag:s4] =	dma.local [hbm:s3], $0xF7A  }
0x26: {  	[smem:$0x3F94] =	sst s1;
	(tag) =	ssettag s2;
	_ =	strace s9  }
0x27: {  	s1 =	sld [smem:$0x3FA4]  }
0x28: {  	s2 =	sld [smem:$0x3FA5]  }
0x29: {  	s4 =	sld [smem:$0x3FA7]  }
0x2a: {  	p0 =	seq.s32 s5, $0x0;
	s5 =	sld [smem:$0x3FA8]  }
0x2b: {  	s6 =	sld [smem:$0x3FA9]  }
0x2c: {  	s7 =	sld [smem:$0x3FAA]  }
0x2d: {  	s3 =	simm.s32 $0x108;
	s8 =	sld [smem:$0x3FAB]  }
0x2e: {  	s3 =	simm.s32 @!p0 $0x1082;
	s9 =	sld [smem:$0x3FAC]  }
0x2f: {  	lr =	sadd.s32 s0, s3;
	s0 =	sld [smem:$0x3FA3]  }
0x30: {  	s3 =	sld [smem:$0x3FA6]  }
0x31: {  	[smem:$0x3FAF] =	sst s10  }
0x32: {  	s10 =	sld [smem:$0x3FAD];
	_ =	sdelay $0x3  }
0x33: {  	p0 =	seq.s32 s10, $0x1;
	s10 =	sld [smem:$0x3FAF];
	_ =	sdelay $0x3  }
0x34: {  	[smem:$0x3FAF] =	sst s10  }
0x35: {  	s10 =	sld [smem:$0x3FAE];
	_ =	sdelay $0x3  }
0x36: {  	p1 =	seq.s32 s10, $0x1;
	s10 =	sld [smem:$0x3FAF];
	_ =	sdelay $0x3  }
0x37: {  	[smem:$0x3FAF] =	sst s10  }
0x38: {  	s10 =	sld [smem:$0x3FB0]  }
0x39: {  	_ = 	snop;
	(pc) =	sbr.ind lr, $3  }
0x3a: {  	_ = 	snop  }
0x3b: {  	_ = 	snop  }
0x3c: {  	p2 =	seq.s32 s10, $0x1;
	s10 =	sld [smem:$0x3FAF]  }
0x3d: {  	_ =	shalt  }
0x3e: {  	_ =	shalt  }
0x3f: {  	_ =	shalt  }
0x40: {  	_ =	shalt  }
0x41: {  	_ =	shalt  }
0x42: {  	_ =	shalt  }
0x43: {  	_ =	shalt  }
0x44: {  	_ =	shalt  }
0x45: {  	_ =	shalt  }
0x46: {  	_ =	shalt  }
0x47: {  	_ =	shalt  }
0x48: {  	_ =	shalt  }
0x49: {  	_ =	shalt  }
0x4a: {  	_ =	shalt  }
0x4b: {  	_ =	shalt  }
0x4c: {  	_ =	shalt  }
0x4d: {  	_ =	shalt  }
0x4e: {  	_ =	shalt  }
0x4f: {  	_ =	shalt  }
0x50: {  	_ =	shalt  }
0x51: {  	_ =	shalt  }
0x52: {  	_ =	shalt  }
0x53: {  	_ =	shalt  }
0x54: {  	_ =	shalt  }
0x55: {  	_ =	shalt  }
0x56: {  	_ =	shalt  }
0x57: {  	_ =	shalt  }
0x58: {  	_ =	shalt  }
0x59: {  	_ =	shalt  }
0x5a: {  	_ =	shalt  }
0x5b: {  	_ =	shalt  }
0x5c: {  	_ =	shalt  }
0x5d: {  	_ =	shalt  }
0x5e: {  	_ =	shalt  }
0x5f: {  	_ =	shalt  }
0x60: {  	_ =	shalt  }
0x61: {  	_ =	shalt  }
0x62: {  	_ =	shalt  }
0x63: {  	_ =	shalt  }
0x64: {  	_ =	shalt  }
0x65: {  	_ =	shalt  }
0x66: {  	_ =	shalt  }
0x67: {  	_ =	shalt  }
0x68: {  	_ =	shalt  }
0x69: {  	_ =	shalt  }
0x6a: {  	_ =	shalt  }
0x6b: {  	_ =	shalt  }
0x6c: {  	_ =	shalt  }
0x6d: {  	_ =	shalt  }
0x6e: {  	_ =	shalt  }
0x6f: {  	_ =	shalt  }
0x70: {  	_ =	shalt  }
0x71: {  	_ =	shalt  }
0x72: {  	_ =	shalt  }
0x73: {  	_ =	shalt  }
0x74: {  	_ =	shalt  }
0x75: {  	_ =	shalt  }
0x76: {  	_ =	shalt  }
0x77: {  	_ =	shalt  }
0x78: {  	_ =	shalt  }
0x79: {  	_ =	shalt  }
0x7a: {  	_ =	shalt  }
0x7b: {  	_ =	shalt  }
0x7c: {  	_ =	shalt  }
0x7d: {  	_ =	shalt  }
0x7e: {  	_ =	shalt  }
0x7f: {  	_ =	shalt  }
0x80: {  	_ =	shalt  }
0x81: {  	_ =	shalt  }
0x82: {  	_ =	shalt  }
0x83: {  	_ =	shalt  }
0x84: {  	_ =	shalt  }
0x85: {  	_ =	shalt  }
0x86: {  	_ =	shalt  }
0x87: {  	_ =	shalt  }
.Lfunc_end0:
.L_simem_size_0:
called_computation_lowered:
.L_overlay_start_0:
0x88: {  	s2 =	sld [smem:$0x3FD9]  }
0x89: {  	s3 =	sld [smem:$0x3FFE];
	_ =	sdelay $0x1  }
0x8a: {  	s1 =	srdreg.scid  }
0x8b: {  	s0 =	sand.u32 $0x1, s1  }
0x8c: {  	s17 =	sshll.u32 s0, $0xA;
	s2 =	sadd.s32 s3, s2  }
0x8d: {  	s2 =	sadd.s32 s2, s17  }
0x8e: {  	[smem:$0x3FBB] =	sst s2  }
0x8f: {  	_ = 	snop  }
0x90: {  	s2 =	sld [smem:$0x3FC7];
	(tm) =	ssettm $0x1  }
0x91: {  	s18 =	sld [smem:$0x3FFB];
	_ =	sdelay $0x3  }
0x92: {  	_ =	strace s18  }
0x93: {  	s3 =	sld [smem:$0x3FFC];
	_ =	sdelay $0x3  }
0x94: {  	_ =	strace s3  }
0x95: {  	s3 =	sld [smem:$0x3FFD];
	_ =	sdelay $0x3  }
0x96: {  	_ =	strace s3  }
0x97: {  	_ =	strace $0x8FFFFFFF  }
0x98: {  	s19 =	sld [smem:$0x3FDB];
	_ =	sdelay $0x1  }
0x99: {  	s4 =	simm.s32 $_scs_section_size  }
0x9a: {  	s5 =	simm.s32 $_size__tile_overlayer_lowered;
	s6 =	simm.s32 $_tile_overlayer_lowered  }
0x9b: {  	s22 =	simm.s32 $0x1BFF;
	s21 =	sshll.u32 s6, $0x1;
	s3 =	sadd.s32 s4, s19  }
0x9c: {  	s7 =	simm.s32 $0x0;
	s20 =	sshll.u32 s5, $0x1;
	s5 =	sadd.s32 s21, s3  }
0x9d: {  	[timem:s7], [sflag:s22] =	dma.local [hbm:s5], s20  }
0x9e: {  	_ =	swait.ge [sflag:s22], s20  }
0x9f: {  	s4 =	ssub.s32 $0x0, s20;
	[sflag:s22] =	ssyncset.done $0x0  }
0xa0: {  	[sflag:s22] =	ssyncadd.s32 s4;
	_ =	sdelay $0x1  }
0xa1: {  	s23 =	simm.s32 $0x1B8B  }
0xa2: {  	_ =	swait.ge [sflag:s23], $0x1  }
0xa3: {  	[sflag:s23] =	ssyncset.done $0x0  }
0xa4: {  	s25 =	simm.s32 $0x1B8E;
	s24 =	sld [smem:$0x3FFE];
	[sflag:s23] =	ssyncadd.s32 $0xFFFFFFFF  }
0xa5: {  	s26 =	simm.s32 $execute0_lowered;
	[smem:$0x3FD2] =	sst s25  }
0xa6: {  	s5 =	sshll.u32 s26, $0x1;
	_ =	strace $0x80000046;
	[dreg:$0x1] =	wrdreg $0xFFFFFFFF  }
0xa7: {  	s28 =	simm.s32 $_size_execute0_lowered;
	s3 =	sadd.s32 s3, s5;
	[dreg:$0x0] =	wrdreg $0x0  }
0xa8: {  	s5 =	sshll.u32 s28, $0x1;
	[dreg:$0x2] =	wrdreg s3  }
0xa9: {  	[dreg:$0x3] =	wrdreg s5  }
0xaa: {  	[dreg:$0x4] =	wrdreg $0xC0  }
0xab: {  	_ =	task [dreg:s7], $0x5FFFF  }
0xac: {  	[dreg:$0x1] =	wrdreg $0xFFFFFFFF  }
0xad: {  	[dreg:$0x0] =	wrdreg $0x60  }
0xae: {  	[dreg:$0x2] =	wrdreg s24  }
0xaf: {  	[dreg:$0x3] =	wrdreg s2  }
0xb0: {  	[dreg:$0x4] =	wrdreg $0xA8000  }
0xb1: {  	[dreg:$0x5] =	wrdreg $0x9  }
0xb2: {  	_ =	task.clear_ibuf [dreg:s7], $0x6FFFF;
	_ =	strace $0x90000046  }
0xb3: {  	s29 =	simm.s32 $0x9;
	_ =	strace $0x80000048  }
0xb4: {  	_ =	swait.ge [sflag:s29], $0x1  }
0xb5: {  	[sflag:s29] =	ssyncadd.s32 $0xFFFFFFFF  }
0xb6: {  	_ =	strace $0x90000048  }
0xb7: {  	_ =	sfence  }
0xb8: {  	s30 =	sld [smem:$0x0];
	_ =	sdelay $0x2  }
0xb9: {  	s31 =	sshll.u32 s1, $0xD;
	s1 =	sshrl.u32 s1, $0x2  }
0xba: {  	s3 =	sand.u32 $0x4000, s31;
	s1 =	sadd.s32 s1, s30  }
0xbb: {  	s0 =	sor.u32 s3, s0;
	s1 =	sshll.u32 s1, $0x11  }
0xbc: {  	s0 =	sor.u32 s1, s0  }
0xbd: {  	s0 =	sadd.s32 $0x8F2B, s0  }
0xbe: {  	[sflag:s0] =	ssyncadd.remote.s32 $0x1  }
0xbf: {  	_ =	sfence.sel $0xFFFF  }
0xc0: {  	[dreg:$0x0] =	wrdreg $0xFFFFFFFF;
	(pc) =	sbr.abs _section_cstart, $3  }
0xc1: {  	[dreg:$0x1] =	wrdreg $0xFFFFFFFF  }
0xc2: {  	_ =	task.clear_ibuf [dreg:s7], $0x2FFFF;
	_ =	strace $0x9FFFFFFF  }
0xc3: {  	(tm) =	ssettm $0x7FFFFFFF  }
tec
execute0_lowered:
.L_overlay_start_1:
0x0: {  	(tag) =	ssettag $0x1  }
0x1: {  	s4 =	rddreg [dreg:$0x0]  }
0x2: {  	s0 =	rddreg [dreg:$0x1];
	s1 =	srdreg.scid  }
0x3: {  	s10 =	stileid.u32;
	s2 =	rddreg [dreg:$0x2]  }
0x4: {  	s3 =	simm.s32 $0x0;
	s17 =	simm.s32 $0x4;
	s18 =	simm.s32 $0x0  }
0x5: {  	s6 =	sand.u32 $0x1, s1;
	s1 =	rddreg [dreg:$0x3];
	s11 =	smul.u32 $0x27100, s10  }
0x6: {  	s5 =	sshll.u32 s10, $0x1;
	[smem:$0x7FF] =	sst s3;
	s13 =	smul.u32 $0x138800, s10  }
0x7: {  	s9 =	sadd.s32 $0x10800, s4;
	s8 =	sadd.s32 $0x281800, s4;
	s15 =	smul.u32 $0x9C400, s6  }
0x8: {  	p0 =	sne.s32 s10, $0x0;
	s5 =	sor.u32 s6, s5;
	s16 =	smul.u32 $0x13880, s6  }
0x9: {  	s10 =	simm.s32 $0x3;
	s30 =	ssub.s32 $0x2, s6;
	s7 =	smul.u32 $0x500, s5  }
0xa: {  	_ =	strace $0x80000047;
	s5 =	smul.u32 $0x9C400, s5;
	s12 =	sshrl.u32 s30, $0x1  }
0xb: {  	s12 =	ssub.s32 s30, s12;
	s31 =	sadd.s32 s15, s13;
	s13 =	simm.s32 $0x80  }
0xc: {  	s15 =	simm.s32 $0x1;
	s7 =	sadd.s32 s7, s4;
	s5 =	sshrl.u32 s5, $0x3  }
.Ltmp0:
0xd: {  	s14 =	sadd.s32 $0x13800, s5;
	s4 =	sadd.s32 $0x6800, s7;
	(pc) =	sbr.rel .LBB2_1-.Ltmp0, $4  }
0xe: {  	s7 =	smax.u32 s12, $0x1;
	s12 =	simm.s32 $0x2800;
	s5 =	sadd.s32 s9, s14  }
0xf: {  	s6 =	sadd.s32 s8, s14;
	s8 =	sadd.s32 s11, s8;
	s11 =	sshrl.u32 s31, $0x3  }
0x10: {  	s14 =	simm.s32 $0x6800;
	s8 =	sadd.s32 s16, s8;
	s9 =	sadd.s32 s11, s9  }
0x11: {  	s11 =	sshrl.u32 @!p0 s2, $0x3;
	s16 =	simm.s32 $0x2;
	s8 =	sadd.s32 $0xFFFEC000, s8  }
.LBB2_9:
0x12: {  	[hbm4b:s6+s3] =	stream.linear.scatter [tilespmem:s14], [sflag:$0x3], $0x400, $0x38;
	[tilespmem:$0x1E080] =	vst v63  }
0x13: {  	_ =	swait.ge [sflag:s10], $0x400  }
0x14: {  	[sflag:s10] =	ssyncset.done $0x0  }
0x15: {  	[sflag:s10] =	ssyncadd.s32 $0xFFFFFC00  }
.LBB2_12:
0x16: {  	s18 =	sadd.s32 $0x1, s18  }
0x17: {  	p1 =	sne.s32 s18, s7  }
.Ltmp1:
0x18: {  	_ = 	snop;
	(pc) =	sbr.rel @!p1 .LBB2_13-.Ltmp1, $1  }
0x19: {  	_ =	sdelay $0x3  }
.LBB2_1:
0x1a: {  	[tilespmem:s3], [sflag:$0x3] =	stream.linear.gather [hbm4b:s4+s3], $0x2800, $0x38;
	[tilespmem:$0x1E080] =	vst v63  }
0x1b: {  	_ =	swait.ge [sflag:s10], $0x2800  }
0x1c: {  	[sflag:s10] =	ssyncset.done $0x0  }
0x1d: {  	s19 =	simm.s32 @!p0 $0x1C03;
	[sflag:s10] =	ssyncadd.s32 $0xFFFFD800  }
0x1e: {  	[spmem:s11], [sflag:s19] =	dma.local @!p0 [hbm:s0], $0x27100  }
0x1f: {  	s19 =	simm.s32 @!p0 $0x3  }
.Ltmp2:
0x20: {  	_ =	swait.ge @!p0 [sflag:s19], $0x27100;
	(pc) =	sbr.rel .LBB2_2-.Ltmp2, $4  }
0x21: {  	[sflag:s19] =	ssyncset.done @!p0 $0x0  }
0x22: {  	s20 =	smov.u32 s9;
	s21 =	smov.u32 s8;
	[sflag:s19] =	ssyncadd.s32 @!p0 $0xFFFD8F00  }
0x23: {  	s22 =	simm.s32 $0x0;
	s19 =	simm.s32 $0x80;
	[bflag:$0x0] =	sbarrier.arrive $0xFFFF  }
0x24: {  	[tilespmem:s12], [sflag:$0x1] =	stream.indirect.gather [spmem:s2], $0x80, s3, s13, $0xb8;
	[tilespmem:$0x1E080] =	vst v63  }
.LBB2_3:
0x25: {  	[tilespmem:s14], [sflag:$0x2] =	stream.indirect.gather [spmem:s2], $0x80, s19, s13, $0xb8;
	[tilespmem:$0x1E080] =	vst v63  }
0x26: {  	_ =	swait.ge [sflag:s15], $0x4000  }
0x27: {  	p1 =	sgt.u32 s22, $0x26;
	[sflag:s15] =	ssyncset.done $0x0  }
0x28: {  	s23 =	simm.s32 @p1 $0x0;
	s24 =	simm.s32 @p1 $0x2800;
	[sflag:s15] =	ssyncadd.s32 $0xFFFFC000  }
0x29: {  	[hbm4b:s21+s23] =	stream.linear.scatter @p1 [tilespmem:s24], [sflag:$0x4], $0x4000, $0x38;
	[tilespmem:$0x1E080] =	vst v63  }
0x2a: {  	s23 =	simm.s32 @p1 $0x4  }
0x2b: {  	_ =	swait.ge @p1 [sflag:s23], $0x4000  }
0x2c: {  	[sflag:s23] =	ssyncset.done @p1 $0x0  }
0x2d: {  	s24 =	simm.s32 @!p1 $0x2800;
	[sflag:s23] =	ssyncadd.s32 @p1 $0xFFFFC000;
	s23 =	simm.s32 @!p1 $0x0  }
0x2e: {  	[hbm4b:s20+s23] =	stream.linear.scatter @!p1 [tilespmem:s24], [sflag:$0x4], $0x4000, $0x38;
	[tilespmem:$0x1E080] =	vst v63  }
0x2f: {  	s23 =	simm.s32 @!p1 $0x4  }
0x30: {  	_ =	swait.ge @!p1 [sflag:s23], $0x4000  }
0x31: {  	[sflag:s23] =	ssyncset.done @!p1 $0x0  }
0x32: {  	[sflag:s23] =	ssyncadd.s32 @!p1 $0xFFFFC000  }
.LBB2_11:
0x33: {  	s22 =	sadd.s32 $0x1, s22  }
0x34: {  	p1 =	sne.s32 s22, $0x50  }
.Ltmp3:
0x35: {  	_ = 	snop;
	(pc) =	sbr.rel @!p1 .LBB2_12-.Ltmp3, $2  }
0x36: {  	_ =	sdelay $0x2  }
0x37: {  	s21 =	sadd.s32 $0x800, s21;
	s20 =	sadd.s32 $0x800, s20;
	s19 =	sadd.s32 $0x80, s19  }
.LBB2_2:
0x38: {  	s23 =	sand.u32 $0x1, s22  }
0x39: {  	p1 =	seq.s32 s23, $0x1  }
.Ltmp4:
0x3a: {  	_ = 	snop;
	(pc) =	sbr.rel @!p1 .LBB2_3-.Ltmp4, $1  }
0x3b: {  	_ =	sdelay $0x3  }
0x3c: {  	p1 =	seq.s32 s22, $0x4F;
	p2 =	sgt.u32 s22, $0x26  }
.Ltmp5:
0x3d: {  	s23 =	simm.s32 @!p1 $0x80;
	s24 =	simm.s32 @!p1 $0x2800;
	(pc) =	sbr.rel @p2 .LBB2_6-.Ltmp5, $4  }
0x3e: {  	[tilespmem:s24], [sflag:$0x1] =	stream.indirect.gather @!p1 [spmem:s2], $0x80, s19, s23, $0xb8;
	[tilespmem:$0x1E080] =	vst v63  }
0x3f: {  	_ =	swait.ge [sflag:s16], $0x4000  }
0x40: {  	[sflag:s16] =	ssyncset.done $0x0  }
0x41: {  	[sflag:s16] =	ssyncadd.s32 $0xFFFFC000  }
.Ltmp6:
0x42: {  	(pc) =	sbr.rel .LBB2_11-.Ltmp6, $4  }
0x43: {  	[hbm4b:s20+s3] =	stream.linear.scatter [tilespmem:s14], [sflag:$0x4], $0x4000, $0x38;
	[tilespmem:$0x1E080] =	vst v63  }
0x44: {  	_ =	swait.ge [sflag:s17], $0x4000  }
0x45: {  	[sflag:s17] =	ssyncset.done $0x0  }
0x46: {  	[sflag:s17] =	ssyncadd.s32 $0xFFFFC000  }
.LBB2_6:
0x47: {  	p2 =	seq.s32 s22, $0x27  }
.Ltmp7:
0x48: {  	_ = 	snop;
	(pc) =	sbr.rel @p2 .LBB2_10-.Ltmp7, $1  }
0x49: {  	_ =	sdelay $0x3  }
.Ltmp8:
0x4a: {  	(pc) =	sbr.rel @p1 .LBB2_9-.Ltmp8, $1  }
0x4b: {  	_ =	sdelay $0x3  }
.Ltmp9:
0x4c: {  	(pc) =	sbr.rel .LBB2_11-.Ltmp9, $4  }
0x4d: {  	[hbm4b:s21+s3] =	stream.linear.scatter [tilespmem:s14], [sflag:$0x4], $0x4000, $0x38;
	[tilespmem:$0x1E080] =	vst v63  }
0x4e: {  	_ =	swait.ge [sflag:s17], $0x4000  }
0x4f: {  	[sflag:s17] =	ssyncset.done $0x0  }
0x50: {  	[sflag:s17] =	ssyncadd.s32 $0xFFFFC000  }
.LBB2_10:
.Ltmp10:
0x51: {  	(pc) =	sbr.rel .LBB2_11-.Ltmp10, $4  }
0x52: {  	[hbm4b:s5+s3] =	stream.linear.scatter [tilespmem:s14], [sflag:$0x4], $0x400, $0x38;
	[tilespmem:$0x1E080] =	vst v63  }
0x53: {  	_ =	swait.ge [sflag:s17], $0x400  }
0x54: {  	[sflag:s17] =	ssyncset.done $0x0  }
0x55: {  	[sflag:s17] =	ssyncadd.s32 $0xFFFFFC00  }
.LBB2_13:
0x56: {  	_ =	sfence.sel $0x180000  }
0x57: {  	[bflag:$0x0] =	sbarrier.arrive $0xFFFF  }
0x58: {  	_ =	strace $0x90000047  }
0x59: {  	s0 =	sadd.s32 @!p0 $0x100000, s1;
	[bflag:$0x2] =	sbarrier.arrive $0xFFFF  }
0x5a: {  	[sflag:s0] =	ssyncadd.tile.s32 @!p0 $0x1;
	_ =	shalt  }
.Lfunc_end2:
_tile_overlayer_lowered:
.L_overlay_start_2:
0x5b: {  	(tag) =	ssettag $0x2  }
0x5c: {  	s0 =	rddreg [dreg:$0x0];
	s2 =	stileid.u32  }
0x5d: {  	s1 =	rddreg [dreg:$0x1];
	p0 =	sne.s32 s2, $0x0  }
0x5e: {  	s3 =	rddreg [dreg:$0x2];
	[bflag:$0x3] =	sbarrier.arrive $0xFFFF;
	s2 =	simm.s32 @!p0 $0x1C03  }
0x5f: {  	[timem:s3], [sflag:s2] =	dma.local @!p0 [hbm:s0], s1  }
0x60: {  	s0 =	simm.s32 @!p0 $0x3  }
0x61: {  	_ =	swait.ge @!p0 [sflag:s0], s1  }
0x62: {  	s1 =	ssub.s32 @!p0 $0x0, s1;
	[sflag:s0] =	ssyncset.done @!p0 $0x0  }
0x63: {  	[sflag:s0] =	ssyncadd.s32 @!p0 s1  }
0x64: {  	[bflag:$0x3] =	sbarrier.arrive $0xFFFF  }
0x65: {  	_ =	shalt  }

</sc_bundles>
